<compile_context>
chip_gen: v7x
topology: tpu7x:2x2x1
jax: 0.10.2.dev20260603
libtpu: 0.0.44.dev20260713+nightly
codegen_flags: <defaults>
</compile_context>

<pallas_src>
import jax
import jax.numpy as jnp
from jax import lax
from jax.experimental import pallas as pl
from jax.experimental.pallas import tpu as pltpu
from jax.experimental.pallas import tpu_sc as plsc

IMG = 8192
N = 24576
NC = 2
NS = 16
L = 16
NW = NC * NS
PER = N // NW
CH = 128
NCH = PER // CH
NV = PER // L


def _body(img_hbm, len_hbm, addr_hbm, out_hbm,
          len_v, idx_v, val_v, acc_v,
          sem_len, *sems):
    isem = sems[:NCH]
    gsem = sems[NCH:]
    cid = lax.axis_index("c")
    sid = lax.axis_index("s")
    wid = cid * NS + sid
    base = wid * PER

    cp_idx = [
        pltpu.async_copy(addr_hbm.at[pl.ds(base + jj * CH, CH)],
                         idx_v.at[jj], isem[jj])
        for jj in range(NCH)
    ]
    cp_len = pltpu.async_copy(len_hbm.at[pl.ds(base, PER)], len_v, sem_len)
    gathers = []
    for jj in range(NCH):
        cp_idx[jj].wait()
        gathers.append(
            pltpu.async_copy(img_hbm.at[idx_v.at[jj]], val_v.at[jj], gsem[jj]))

    cp_len.wait()

    acc = jnp.zeros((L,), jnp.float32)
    for jj in range(NCH):
        gathers[jj].wait()
        for k in range(CH // L):
            e0 = jj * CH + k * L
            acc = acc + val_v[jj, pl.ds(k * L, L)] * len_v[pl.ds(e0, L)]

    lane = lax.iota(jnp.int32, L)
    for sh in (1, 2, 4, 8):
        acc = acc + acc.at[lane ^ sh].get(mode="promise_in_bounds")
    acc_v[0, :] = acc
    pltpu.sync_copy(acc_v, out_hbm.at[pl.ds(wid, 1)])


def kernel(img, lengths, idx):
    idx = idx.astype(jnp.int32)
    rr = idx[:, 0]
    cc = idx[:, 1]
    addr = ((rr >> 3) << 16) + ((cc >> 7) << 10) + ((rr & 7) << 7) + (cc & 127)
    img_flat = (
        img.reshape(IMG // 8, 8, IMG // 128, 128)
        .transpose(0, 2, 1, 3)
        .reshape(-1)
    )
    mesh = plsc.VectorSubcoreMesh(core_axis_name="c", subcore_axis_name="s")
    out = pl.kernel(
        _body,
        mesh=mesh,
        out_type=jax.ShapeDtypeStruct((NW, L), jnp.float32),
        scratch_types=[
            pltpu.VMEM((PER,), jnp.float32),
            pltpu.VMEM((NCH, CH), jnp.int32),
            pltpu.VMEM((NCH, CH), jnp.float32),
            pltpu.VMEM((1, L), jnp.float32),
        ] + [pltpu.SemaphoreType.DMA] * (1 + 2 * NCH),
    )(img_flat, lengths, addr)
    return jnp.sum(out[:, 0])

# --- scband reference (transcript-rebuilt; emitter-appended) ---
"""Pipeline reference for scband-tt-2sensors-84713934946493 (READ-ONLY COPY).

The authoritative reference and input builder live on the scoring server;
editing this copy changes nothing except your own understanding.
"""

import jax, jax.numpy as jnp
import numpy as np

EPS = 1e-12
IMG_SIZE = 8192
SENSORS = np.array([[-0.9, -0.7], [0.8, 0.6]], dtype=np.float32)


def _build(sensors, img_size):
    # Faithful numpy port of tt_2sensors.__build
    x1, y1 = float(sensors[0, 0]), float(sensors[0, 1])
    x2, y2 = float(sensors[1, 0]), float(sensors[1, 1])
    slope = (y2 - y1) / (x2 - x1)
    ppw = 1.0 / img_size
    n_pts_x = int(abs(x2 - x1) / ppw)
    n_pts_y = int(abs(y2 - y1) / ppw)
    intersect_vert = None
    intersect_horz = None
    if n_pts_x > 0:
        xs = x1 + np.arange(1, n_pts_x + 1, dtype=np.float32) * ppw * np.sign(x2 - x1)
        ys = y2 - slope * (x2 - xs)
        intersect_vert = np.stack((xs, ys), axis=-1)
    if n_pts_y > 0:
        ys = y1 + np.arange(1, n_pts_y + 1, dtype=np.float32) * ppw * np.sign(y2 - y1)
        xs = x2 - (y2 - ys) / slope
        intersect_horz = np.stack((xs, ys), axis=-1)
    all_pts = sensors.copy()
    if intersect_horz is not None:
        all_pts = np.concatenate((sensors, intersect_horz), axis=0)
    if intersect_vert is not None:
        all_pts = np.concatenate((all_pts, intersect_vert), axis=0)
    order = np.argsort(all_pts[:, 0], kind='stable')
    all_pts = all_pts[order]
    midpoints = (all_pts[:-1] + all_pts[1:]) / 2.0
    lengths = np.linalg.norm(all_pts[:-1] - all_pts[1:], axis=-1).astype(np.float32)
    midpoints = np.clip((midpoints + 1.0) / 2.0, 0.0, 1.0 - EPS)
    pixel_idx = np.floor(midpoints / ppw).astype(np.int64)
    return lengths, pixel_idx


def setup_inputs(seed: int = 0) -> dict:
    key = jax.random.key(seed)
    img = jax.random.normal(key, (IMG_SIZE, IMG_SIZE), dtype=jnp.float32)
    lengths, pixel_idx = _build(SENSORS, IMG_SIZE)
    return {
        'img': img,
        'lengths': jnp.asarray(lengths, dtype=jnp.float32),
        'idx': jnp.asarray(pixel_idx, dtype=jnp.int64),
    }


def reference(img, lengths, idx):
    # forward: gather pixel intensities along the ray and integrate
    pixel_intensities = img[idx[:, 0], idx[:, 1]]
    return jnp.sum(pixel_intensities * lengths)

if __name__ == "__main__":
    import jax
    _d = setup_inputs()
    print(jax.jit(kernel)(*tuple(_d.values())))

</pallas_src>

<mosaic_0001>
#map = affine_map<(d0, d1) -> (0)>
#map1 = affine_map<(d0, d1) -> (0, 0)>
module attributes {stable_mosaic.version = 14 : i64} {
  func.func @_body(%arg0: i32, %arg1: i32, %arg2: memref<67108864xf32, #tpu.memory_space<hbm>>, %arg3: memref<24576xf32, #tpu.memory_space<hbm>>, %arg4: memref<24576xi32, #tpu.memory_space<hbm>>, %arg5: memref<32x16xf32, #tpu.memory_space<hbm>>, %arg6: memref<768xf32, #tpu.memory_space<vmem>>, %arg7: memref<6x128xi32, #tpu.memory_space<vmem>>, %arg8: memref<6x128xf32, #tpu.memory_space<vmem>>, %arg9: memref<1x16xf32, #tpu.memory_space<vmem>>, %arg10: memref<!tpu.dma_semaphore, #tpu.memory_space<semaphore_mem>>, %arg11: memref<!tpu.dma_semaphore, #tpu.memory_space<semaphore_mem>>, %arg12: memref<!tpu.dma_semaphore, #tpu.memory_space<semaphore_mem>>, %arg13: memref<!tpu.dma_semaphore, #tpu.memory_space<semaphore_mem>>, %arg14: memref<!tpu.dma_semaphore, #tpu.memory_space<semaphore_mem>>, %arg15: memref<!tpu.dma_semaphore, #tpu.memory_space<semaphore_mem>>, %arg16: memref<!tpu.dma_semaphore, #tpu.memory_space<semaphore_mem>>, %arg17: memref<!tpu.dma_semaphore, #tpu.memory_space<semaphore_mem>>, %arg18: memref<!tpu.dma_semaphore, #tpu.memory_space<semaphore_mem>>, %arg19: memref<!tpu.dma_semaphore, #tpu.memory_space<semaphore_mem>>, %arg20: memref<!tpu.dma_semaphore, #tpu.memory_space<semaphore_mem>>, %arg21: memref<!tpu.dma_semaphore, #tpu.memory_space<semaphore_mem>>, %arg22: memref<!tpu.dma_semaphore, #tpu.memory_space<semaphore_mem>>) attributes {dimension_semantics = [#tpu.dimension_semantics<core_parallel>, #tpu.dimension_semantics<subcore_parallel>], iteration_bounds = array<i64: 2, 16>, scalar_prefetch = 0 : i64, scratch_operands = 17 : i64, tpu.core_type = #tpu.core_type<sc_vector_subcore>, window_params = [{transform_indices = #map}, {transform_indices = #map}, {transform_indices = #map}, {transform_indices = #map1}]} {
    %mul3A = arith.constant 16 : i32
    %mul3A_0 = arith.muli %arg0, %mul3A : i32
    %add3A = arith.addi %mul3A_0, %arg1 : i32
    %mul3A_1 = arith.constant 768 : i32
    %mul3A_2 = arith.muli %add3A, %mul3A_1 : i32
    %add3A_3 = arith.constant 0 : i32
    %add3A_4 = arith.addi %mul3A_2, %add3A_3 : i32
    %dma_start3A = arith.constant 0 : i32
    %dma_start3A_5 = arith.constant 0 : i32
    %dma_start3A_6 = tpu.memref_slice %arg7[%dma_start3A, %dma_start3A_5] : memref<6x128xi32, #tpu.memory_space<vmem>> -> memref<1x128xi32, #tpu.memory_space<vmem>>
    %dma_start3A_7 = tpu.memref_squeeze %dma_start3A_6 : memref<1x128xi32, #tpu.memory_space<vmem>> -> memref<128xi32, #tpu.memory_space<vmem>>
    %dma_start3A_8 = tpu.memref_slice %arg4[%add3A_4] : memref<24576xi32, #tpu.memory_space<hbm>> -> memref<128xi32, #tpu.memory_space<hbm>>
    %dma_start3A_9 = arith.constant 0 : i32
    %dma_start3A_10 = tpu.memref_slice %arg7[%dma_start3A, %dma_start3A_9] : memref<6x128xi32, #tpu.memory_space<vmem>> -> memref<1x128xi32, #tpu.memory_space<vmem>>
    %dma_start3A_11 = tpu.memref_squeeze %dma_start3A_10 : memref<1x128xi32, #tpu.memory_space<vmem>> -> memref<128xi32, #tpu.memory_space<vmem>>
    %dma_start3A_12 = tpu.memref_slice %arg4[%add3A_4] : memref<24576xi32, #tpu.memory_space<hbm>> -> memref<128xi32, #tpu.memory_space<hbm>>
    tpu.enqueue_dma source(%dma_start3A_12 : memref<128xi32, #tpu.memory_space<hbm>>) target(%dma_start3A_11 : memref<128xi32, #tpu.memory_space<vmem>>) target_semaphore(%arg11 : memref<!tpu.dma_semaphore, #tpu.memory_space<semaphore_mem>>)
    %add3A_13 = arith.constant 128 : i32
    %add3A_14 = arith.addi %mul3A_2, %add3A_13 : i32
    %dma_start3A_15 = arith.constant 1 : i32
    %dma_start3A_16 = arith.constant 0 : i32
    %dma_start3A_17 = tpu.memref_slice %arg7[%dma_start3A_15, %dma_start3A_16] : memref<6x128xi32, #tpu.memory_space<vmem>> -> memref<1x128xi32, #tpu.memory_space<vmem>>
    %dma_start3A_18 = tpu.memref_squeeze %dma_start3A_17 : memref<1x128xi32, #tpu.memory_space<vmem>> -> memref<128xi32, #tpu.memory_space<vmem>>
    %dma_start3A_19 = tpu.memref_slice %arg4[%add3A_14] : memref<24576xi32, #tpu.memory_space<hbm>> -> memref<128xi32, #tpu.memory_space<hbm>>
    %dma_start3A_20 = arith.constant 0 : i32
    %dma_start3A_21 = tpu.memref_slice %arg7[%dma_start3A_15, %dma_start3A_20] : memref<6x128xi32, #tpu.memory_space<vmem>> -> memref<1x128xi32, #tpu.memory_space<vmem>>
    %dma_start3A_22 = tpu.memref_squeeze %dma_start3A_21 : memref<1x128xi32, #tpu.memory_space<vmem>> -> memref<128xi32, #tpu.memory_space<vmem>>
    %dma_start3A_23 = tpu.memref_slice %arg4[%add3A_14] : memref<24576xi32, #tpu.memory_space<hbm>> -> memref<128xi32, #tpu.memory_space<hbm>>
    tpu.enqueue_dma source(%dma_start3A_23 : memref<128xi32, #tpu.memory_space<hbm>>) target(%dma_start3A_22 : memref<128xi32, #tpu.memory_space<vmem>>) target_semaphore(%arg12 : memref<!tpu.dma_semaphore, #tpu.memory_space<semaphore_mem>>)
    %add3A_24 = arith.constant 256 : i32
    %add3A_25 = arith.addi %mul3A_2, %add3A_24 : i32
    %dma_start3A_26 = arith.constant 2 : i32
    %dma_start3A_27 = arith.constant 0 : i32
    %dma_start3A_28 = tpu.memref_slice %arg7[%dma_start3A_26, %dma_start3A_27] : memref<6x128xi32, #tpu.memory_space<vmem>> -> memref<1x128xi32, #tpu.memory_space<vmem>>
    %dma_start3A_29 = tpu.memref_squeeze %dma_start3A_28 : memref<1x128xi32, #tpu.memory_space<vmem>> -> memref<128xi32, #tpu.memory_space<vmem>>
    %dma_start3A_30 = tpu.memref_slice %arg4[%add3A_25] : memref<24576xi32, #tpu.memory_space<hbm>> -> memref<128xi32, #tpu.memory_space<hbm>>
    %dma_start3A_31 = arith.constant 0 : i32
    %dma_start3A_32 = tpu.memref_slice %arg7[%dma_start3A_26, %dma_start3A_31] : memref<6x128xi32, #tpu.memory_space<vmem>> -> memref<1x128xi32, #tpu.memory_space<vmem>>
    %dma_start3A_33 = tpu.memref_squeeze %dma_start3A_32 : memref<1x128xi32, #tpu.memory_space<vmem>> -> memref<128xi32, #tpu.memory_space<vmem>>
    %dma_start3A_34 = tpu.memref_slice %arg4[%add3A_25] : memref<24576xi32, #tpu.memory_space<hbm>> -> memref<128xi32, #tpu.memory_space<hbm>>
    tpu.enqueue_dma source(%dma_start3A_34 : memref<128xi32, #tpu.memory_space<hbm>>) target(%dma_start3A_33 : memref<128xi32, #tpu.memory_space<vmem>>) target_semaphore(%arg13 : memref<!tpu.dma_semaphore, #tpu.memory_space<semaphore_mem>>)
    %add3A_35 = arith.constant 384 : i32
    %add3A_36 = arith.addi %mul3A_2, %add3A_35 : i32
    %dma_start3A_37 = arith.constant 3 : i32
    %dma_start3A_38 = arith.constant 0 : i32
    %dma_start3A_39 = tpu.memref_slice %arg7[%dma_start3A_37, %dma_start3A_38] : memref<6x128xi32, #tpu.memory_space<vmem>> -> memref<1x128xi32, #tpu.memory_space<vmem>>
    %dma_start3A_40 = tpu.memref_squeeze %dma_start3A_39 : memref<1x128xi32, #tpu.memory_space<vmem>> -> memref<128xi32, #tpu.memory_space<vmem>>
    %dma_start3A_41 = tpu.memref_slice %arg4[%add3A_36] : memref<24576xi32, #tpu.memory_space<hbm>> -> memref<128xi32, #tpu.memory_space<hbm>>
    %dma_start3A_42 = arith.constant 0 : i32
    %dma_start3A_43 = tpu.memref_slice %arg7[%dma_start3A_37, %dma_start3A_42] : memref<6x128xi32, #tpu.memory_space<vmem>> -> memref<1x128xi32, #tpu.memory_space<vmem>>
    %dma_start3A_44 = tpu.memref_squeeze %dma_start3A_43 : memref<1x128xi32, #tpu.memory_space<vmem>> -> memref<128xi32, #tpu.memory_space<vmem>>
    %dma_start3A_45 = tpu.memref_slice %arg4[%add3A_36] : memref<24576xi32, #tpu.memory_space<hbm>> -> memref<128xi32, #tpu.memory_space<hbm>>
    tpu.enqueue_dma source(%dma_start3A_45 : memref<128xi32, #tpu.memory_space<hbm>>) target(%dma_start3A_44 : memref<128xi32, #tpu.memory_space<vmem>>) target_semaphore(%arg14 : memref<!tpu.dma_semaphore, #tpu.memory_space<semaphore_mem>>)
    %add3A_46 = arith.constant 512 : i32
    %add3A_47 = arith.addi %mul3A_2, %add3A_46 : i32
    %dma_start3A_48 = arith.constant 4 : i32
    %dma_start3A_49 = arith.constant 0 : i32
    %dma_start3A_50 = tpu.memref_slice %arg7[%dma_start3A_48, %dma_start3A_49] : memref<6x128xi32, #tpu.memory_space<vmem>> -> memref<1x128xi32, #tpu.memory_space<vmem>>
    %dma_start3A_51 = tpu.memref_squeeze %dma_start3A_50 : memref<1x128xi32, #tpu.memory_space<vmem>> -> memref<128xi32, #tpu.memory_space<vmem>>
    %dma_start3A_52 = tpu.memref_slice %arg4[%add3A_47] : memref<24576xi32, #tpu.memory_space<hbm>> -> memref<128xi32, #tpu.memory_space<hbm>>
    %dma_start3A_53 = arith.constant 0 : i32
    %dma_start3A_54 = tpu.memref_slice %arg7[%dma_start3A_48, %dma_start3A_53] : memref<6x128xi32, #tpu.memory_space<vmem>> -> memref<1x128xi32, #tpu.memory_space<vmem>>
    %dma_start3A_55 = tpu.memref_squeeze %dma_start3A_54 : memref<1x128xi32, #tpu.memory_space<vmem>> -> memref<128xi32, #tpu.memory_space<vmem>>
    %dma_start3A_56 = tpu.memref_slice %arg4[%add3A_47] : memref<24576xi32, #tpu.memory_space<hbm>> -> memref<128xi32, #tpu.memory_space<hbm>>
    tpu.enqueue_dma source(%dma_start3A_56 : memref<128xi32, #tpu.memory_space<hbm>>) target(%dma_start3A_55 : memref<128xi32, #tpu.memory_space<vmem>>) target_semaphore(%arg15 : memref<!tpu.dma_semaphore, #tpu.memory_space<semaphore_mem>>)
    %add3A_57 = arith.constant 640 : i32
    %add3A_58 = arith.addi %mul3A_2, %add3A_57 : i32
    %dma_start3A_59 = arith.constant 5 : i32
    %dma_start3A_60 = arith.constant 0 : i32
    %dma_start3A_61 = tpu.memref_slice %arg7[%dma_start3A_59, %dma_start3A_60] : memref<6x128xi32, #tpu.memory_space<vmem>> -> memref<1x128xi32, #tpu.memory_space<vmem>>
    %dma_start3A_62 = tpu.memref_squeeze %dma_start3A_61 : memref<1x128xi32, #tpu.memory_space<vmem>> -> memref<128xi32, #tpu.memory_space<vmem>>
    %dma_start3A_63 = tpu.memref_slice %arg4[%add3A_58] : memref<24576xi32, #tpu.memory_space<hbm>> -> memref<128xi32, #tpu.memory_space<hbm>>
    %dma_start3A_64 = arith.constant 0 : i32
    %dma_start3A_65 = tpu.memref_slice %arg7[%dma_start3A_59, %dma_start3A_64] : memref<6x128xi32, #tpu.memory_space<vmem>> -> memref<1x128xi32, #tpu.memory_space<vmem>>
    %dma_start3A_66 = tpu.memref_squeeze %dma_start3A_65 : memref<1x128xi32, #tpu.memory_space<vmem>> -> memref<128xi32, #tpu.memory_space<vmem>>
    %dma_start3A_67 = tpu.memref_slice %arg4[%add3A_58] : memref<24576xi32, #tpu.memory_space<hbm>> -> memref<128xi32, #tpu.memory_space<hbm>>
    tpu.enqueue_dma source(%dma_start3A_67 : memref<128xi32, #tpu.memory_space<hbm>>) target(%dma_start3A_66 : memref<128xi32, #tpu.memory_space<vmem>>) target_semaphore(%arg16 : memref<!tpu.dma_semaphore, #tpu.memory_space<semaphore_mem>>)
    %dma_start3A_68 = tpu.memref_slice %arg3[%mul3A_2] : memref<24576xf32, #tpu.memory_space<hbm>> -> memref<768xf32, #tpu.memory_space<hbm>>
    %dma_start3A_69 = tpu.memref_slice %arg3[%mul3A_2] : memref<24576xf32, #tpu.memory_space<hbm>> -> memref<768xf32, #tpu.memory_space<hbm>>
    tpu.enqueue_dma source(%dma_start3A_69 : memref<768xf32, #tpu.memory_space<hbm>>) target(%arg6 : memref<768xf32, #tpu.memory_space<vmem>>) target_semaphore(%arg10 : memref<!tpu.dma_semaphore, #tpu.memory_space<semaphore_mem>>)
    %dma_wait3A = arith.constant 0 : i32
    %dma_wait3A_70 = arith.constant 0 : i32
    %dma_wait3A_71 = tpu.memref_slice %arg7[%dma_wait3A, %dma_wait3A_70] : memref<6x128xi32, #tpu.memory_space<vmem>> -> memref<1x128xi32, #tpu.memory_space<vmem>>
    %dma_wait3A_72 = tpu.memref_squeeze %dma_wait3A_71 : memref<1x128xi32, #tpu.memory_space<vmem>> -> memref<128xi32, #tpu.memory_space<vmem>>
    %dma_wait3A_73 = tpu.memref_slice %arg4[%add3A_4] : memref<24576xi32, #tpu.memory_space<hbm>> -> memref<128xi32, #tpu.memory_space<hbm>>
    %dma_wait3A_74 = arith.constant 0 : i32
    %dma_wait3A_75 = tpu.memref_slice %arg7[%dma_wait3A, %dma_wait3A_74] : memref<6x128xi32, #tpu.memory_space<vmem>> -> memref<1x128xi32, #tpu.memory_space<vmem>>
    %dma_wait3A_76 = tpu.memref_squeeze %dma_wait3A_75 : memref<1x128xi32, #tpu.memory_space<vmem>> -> memref<128xi32, #tpu.memory_space<vmem>>
    %dma_wait3A_77 = tpu.memref_slice %arg4[%add3A_4] : memref<24576xi32, #tpu.memory_space<hbm>> -> memref<128xi32, #tpu.memory_space<hbm>>
    tpu.wait_dma2 semaphore(%arg11 : memref<!tpu.dma_semaphore, #tpu.memory_space<semaphore_mem>>) src(%dma_wait3A_77 : memref<128xi32, #tpu.memory_space<hbm>>) dst(%dma_wait3A_76 : memref<128xi32, #tpu.memory_space<vmem>>)
    %dma_start3A_78 = arith.constant 0 : i32
    %dma_start3A_79 = arith.constant 0 : i32
    %dma_start3A_80 = arith.constant 0 : i32
    %dma_start3A_81 = tpu.memref_slice %arg8[%dma_start3A_79, %dma_start3A_80] : memref<6x128xf32, #tpu.memory_space<vmem>> -> memref<1x128xf32, #tpu.memory_space<vmem>>
    %dma_start3A_82 = tpu.memref_squeeze %dma_start3A_81 : memref<1x128xf32, #tpu.memory_space<vmem>> -> memref<128xf32, #tpu.memory_space<vmem>>
    %dma_start3A_83 = arith.constant 0 : i32
    %dma_start3A_84 = tpu.memref_slice %arg7[%dma_start3A_78, %dma_start3A_83] : memref<6x128xi32, #tpu.memory_space<vmem>> -> memref<1x128xi32, #tpu.memory_space<vmem>>
    %dma_start3A_85 = tpu.memref_squeeze %dma_start3A_84 : memref<1x128xi32, #tpu.memory_space<vmem>> -> memref<128xi32, #tpu.memory_space<vmem>>
    %dma_start3A_86 = arith.constant 0 : i32
    %dma_start3A_87 = tpu.memref_slice %arg2[%dma_start3A_86] : memref<67108864xf32, #tpu.memory_space<hbm>> -> memref<67108864xf32, #tpu.memory_space<hbm>>
    tpu.enqueue_indirect_dma source(%dma_start3A_87 : memref<67108864xf32, #tpu.memory_space<hbm>>) target(%dma_start3A_82 : memref<128xf32, #tpu.memory_space<vmem>>) offsets(%dma_start3A_85 : memref<128xi32, #tpu.memory_space<vmem>>) semaphore(%arg17 : memref<!tpu.dma_semaphore, #tpu.memory_space<semaphore_mem>>)
    %dma_wait3A_88 = arith.constant 1 : i32
    %dma_wait3A_89 = arith.constant 0 : i32
    %dma_wait3A_90 = tpu.memref_slice %arg7[%dma_wait3A_88, %dma_wait3A_89] : memref<6x128xi32, #tpu.memory_space<vmem>> -> memref<1x128xi32, #tpu.memory_space<vmem>>
    %dma_wait3A_91 = tpu.memref_squeeze %dma_wait3A_90 : memref<1x128xi32, #tpu.memory_space<vmem>> -> memref<128xi32, #tpu.memory_space<vmem>>
    %dma_wait3A_92 = tpu.memref_slice %arg4[%add3A_14] : memref<24576xi32, #tpu.memory_space<hbm>> -> memref<128xi32, #tpu.memory_space<hbm>>
    %dma_wait3A_93 = arith.constant 0 : i32
    %dma_wait3A_94 = tpu.memref_slice %arg7[%dma_wait3A_88, %dma_wait3A_93] : memref<6x128xi32, #tpu.memory_space<vmem>> -> memref<1x128xi32, #tpu.memory_space<vmem>>
    %dma_wait3A_95 = tpu.memref_squeeze %dma_wait3A_94 : memref<1x128xi32, #tpu.memory_space<vmem>> -> memref<128xi32, #tpu.memory_space<vmem>>
    %dma_wait3A_96 = tpu.memref_slice %arg4[%add3A_14] : memref<24576xi32, #tpu.memory_space<hbm>> -> memref<128xi32, #tpu.memory_space<hbm>>
    tpu.wait_dma2 semaphore(%arg12 : memref<!tpu.dma_semaphore, #tpu.memory_space<semaphore_mem>>) src(%dma_wait3A_96 : memref<128xi32, #tpu.memory_space<hbm>>) dst(%dma_wait3A_95 : memref<128xi32, #tpu.memory_space<vmem>>)
    %dma_start3A_97 = arith.constant 1 : i32
    %dma_start3A_98 = arith.constant 1 : i32
    %dma_start3A_99 = arith.constant 0 : i32
    %dma_start3A_100 = tpu.memref_slice %arg8[%dma_start3A_98, %dma_start3A_99] : memref<6x128xf32, #tpu.memory_space<vmem>> -> memref<1x128xf32, #tpu.memory_space<vmem>>
    %dma_start3A_101 = tpu.memref_squeeze %dma_start3A_100 : memref<1x128xf32, #tpu.memory_space<vmem>> -> memref<128xf32, #tpu.memory_space<vmem>>
    %dma_start3A_102 = arith.constant 0 : i32
    %dma_start3A_103 = tpu.memref_slice %arg7[%dma_start3A_97, %dma_start3A_102] : memref<6x128xi32, #tpu.memory_space<vmem>> -> memref<1x128xi32, #tpu.memory_space<vmem>>
    %dma_start3A_104 = tpu.memref_squeeze %dma_start3A_103 : memref<1x128xi32, #tpu.memory_space<vmem>> -> memref<128xi32, #tpu.memory_space<vmem>>
    %dma_start3A_105 = arith.constant 0 : i32
    %dma_start3A_106 = tpu.memref_slice %arg2[%dma_start3A_105] : memref<67108864xf32, #tpu.memory_space<hbm>> -> memref<67108864xf32, #tpu.memory_space<hbm>>
    tpu.enqueue_indirect_dma source(%dma_start3A_106 : memref<67108864xf32, #tpu.memory_space<hbm>>) target(%dma_start3A_101 : memref<128xf32, #tpu.memory_space<vmem>>) offsets(%dma_start3A_104 : memref<128xi32, #tpu.memory_space<vmem>>) semaphore(%arg18 : memref<!tpu.dma_semaphore, #tpu.memory_space<semaphore_mem>>)
    %dma_wait3A_107 = arith.constant 2 : i32
    %dma_wait3A_108 = arith.constant 0 : i32
    %dma_wait3A_109 = tpu.memref_slice %arg7[%dma_wait3A_107, %dma_wait3A_108] : memref<6x128xi32, #tpu.memory_space<vmem>> -> memref<1x128xi32, #tpu.memory_space<vmem>>
    %dma_wait3A_110 = tpu.memref_squeeze %dma_wait3A_109 : memref<1x128xi32, #tpu.memory_space<vmem>> -> memref<128xi32, #tpu.memory_space<vmem>>
    %dma_wait3A_111 = tpu.memref_slice %arg4[%add3A_25] : memref<24576xi32, #tpu.memory_space<hbm>> -> memref<128xi32, #tpu.memory_space<hbm>>
    %dma_wait3A_112 = arith.constant 0 : i32
    %dma_wait3A_113 = tpu.memref_slice %arg7[%dma_wait3A_107, %dma_wait3A_112] : memref<6x128xi32, #tpu.memory_space<vmem>> -> memref<1x128xi32, #tpu.memory_space<vmem>>
    %dma_wait3A_114 = tpu.memref_squeeze %dma_wait3A_113 : memref<1x128xi32, #tpu.memory_space<vmem>> -> memref<128xi32, #tpu.memory_space<vmem>>
    %dma_wait3A_115 = tpu.memref_slice %arg4[%add3A_25] : memref<24576xi32, #tpu.memory_space<hbm>> -> memref<128xi32, #tpu.memory_space<hbm>>
    tpu.wait_dma2 semaphore(%arg13 : memref<!tpu.dma_semaphore, #tpu.memory_space<semaphore_mem>>) src(%dma_wait3A_115 : memref<128xi32, #tpu.memory_space<hbm>>) dst(%dma_wait3A_114 : memref<128xi32, #tpu.memory_space<vmem>>)
    %dma_start3A_116 = arith.constant 2 : i32
    %dma_start3A_117 = arith.constant 2 : i32
    %dma_start3A_118 = arith.constant 0 : i32
    %dma_start3A_119 = tpu.memref_slice %arg8[%dma_start3A_117, %dma_start3A_118] : memref<6x128xf32, #tpu.memory_space<vmem>> -> memref<1x128xf32, #tpu.memory_space<vmem>>
    %dma_start3A_120 = tpu.memref_squeeze %dma_start3A_119 : memref<1x128xf32, #tpu.memory_space<vmem>> -> memref<128xf32, #tpu.memory_space<vmem>>
    %dma_start3A_121 = arith.constant 0 : i32
    %dma_start3A_122 = tpu.memref_slice %arg7[%dma_start3A_116, %dma_start3A_121] : memref<6x128xi32, #tpu.memory_space<vmem>> -> memref<1x128xi32, #tpu.memory_space<vmem>>
    %dma_start3A_123 = tpu.memref_squeeze %dma_start3A_122 : memref<1x128xi32, #tpu.memory_space<vmem>> -> memref<128xi32, #tpu.memory_space<vmem>>
    %dma_start3A_124 = arith.constant 0 : i32
    %dma_start3A_125 = tpu.memref_slice %arg2[%dma_start3A_124] : memref<67108864xf32, #tpu.memory_space<hbm>> -> memref<67108864xf32, #tpu.memory_space<hbm>>
    tpu.enqueue_indirect_dma source(%dma_start3A_125 : memref<67108864xf32, #tpu.memory_space<hbm>>) target(%dma_start3A_120 : memref<128xf32, #tpu.memory_space<vmem>>) offsets(%dma_start3A_123 : memref<128xi32, #tpu.memory_space<vmem>>) semaphore(%arg19 : memref<!tpu.dma_semaphore, #tpu.memory_space<semaphore_mem>>)
    %dma_wait3A_126 = arith.constant 3 : i32
    %dma_wait3A_127 = arith.constant 0 : i32
    %dma_wait3A_128 = tpu.memref_slice %arg7[%dma_wait3A_126, %dma_wait3A_127] : memref<6x128xi32, #tpu.memory_space<vmem>> -> memref<1x128xi32, #tpu.memory_space<vmem>>
    %dma_wait3A_129 = tpu.memref_squeeze %dma_wait3A_128 : memref<1x128xi32, #tpu.memory_space<vmem>> -> memref<128xi32, #tpu.memory_space<vmem>>
    %dma_wait3A_130 = tpu.memref_slice %arg4[%add3A_36] : memref<24576xi32, #tpu.memory_space<hbm>> -> memref<128xi32, #tpu.memory_space<hbm>>
    %dma_wait3A_131 = arith.constant 0 : i32
    %dma_wait3A_132 = tpu.memref_slice %arg7[%dma_wait3A_126, %dma_wait3A_131] : memref<6x128xi32, #tpu.memory_space<vmem>> -> memref<1x128xi32, #tpu.memory_space<vmem>>
    %dma_wait3A_133 = tpu.memref_squeeze %dma_wait3A_132 : memref<1x128xi32, #tpu.memory_space<vmem>> -> memref<128xi32, #tpu.memory_space<vmem>>
    %dma_wait3A_134 = tpu.memref_slice %arg4[%add3A_36] : memref<24576xi32, #tpu.memory_space<hbm>> -> memref<128xi32, #tpu.memory_space<hbm>>
    tpu.wait_dma2 semaphore(%arg14 : memref<!tpu.dma_semaphore, #tpu.memory_space<semaphore_mem>>) src(%dma_wait3A_134 : memref<128xi32, #tpu.memory_space<hbm>>) dst(%dma_wait3A_133 : memref<128xi32, #tpu.memory_space<vmem>>)
    %dma_start3A_135 = arith.constant 3 : i32
    %dma_start3A_136 = arith.constant 3 : i32
    %dma_start3A_137 = arith.constant 0 : i32
    %dma_start3A_138 = tpu.memref_slice %arg8[%dma_start3A_136, %dma_start3A_137] : memref<6x128xf32, #tpu.memory_space<vmem>> -> memref<1x128xf32, #tpu.memory_space<vmem>>
    %dma_start3A_139 = tpu.memref_squeeze %dma_start3A_138 : memref<1x128xf32, #tpu.memory_space<vmem>> -> memref<128xf32, #tpu.memory_space<vmem>>
    %dma_start3A_140 = arith.constant 0 : i32
    %dma_start3A_141 = tpu.memref_slice %arg7[%dma_start3A_135, %dma_start3A_140] : memref<6x128xi32, #tpu.memory_space<vmem>> -> memref<1x128xi32, #tpu.memory_space<vmem>>
    %dma_start3A_142 = tpu.memref_squeeze %dma_start3A_141 : memref<1x128xi32, #tpu.memory_space<vmem>> -> memref<128xi32, #tpu.memory_space<vmem>>
    %dma_start3A_143 = arith.constant 0 : i32
    %dma_start3A_144 = tpu.memref_slice %arg2[%dma_start3A_143] : memref<67108864xf32, #tpu.memory_space<hbm>> -> memref<67108864xf32, #tpu.memory_space<hbm>>
    tpu.enqueue_indirect_dma source(%dma_start3A_144 : memref<67108864xf32, #tpu.memory_space<hbm>>) target(%dma_start3A_139 : memref<128xf32, #tpu.memory_space<vmem>>) offsets(%dma_start3A_142 : memref<128xi32, #tpu.memory_space<vmem>>) semaphore(%arg20 : memref<!tpu.dma_semaphore, #tpu.memory_space<semaphore_mem>>)
    %dma_wait3A_145 = arith.constant 4 : i32
    %dma_wait3A_146 = arith.constant 0 : i32
    %dma_wait3A_147 = tpu.memref_slice %arg7[%dma_wait3A_145, %dma_wait3A_146] : memref<6x128xi32, #tpu.memory_space<vmem>> -> memref<1x128xi32, #tpu.memory_space<vmem>>
    %dma_wait3A_148 = tpu.memref_squeeze %dma_wait3A_147 : memref<1x128xi32, #tpu.memory_space<vmem>> -> memref<128xi32, #tpu.memory_space<vmem>>
    %dma_wait3A_149 = tpu.memref_slice %arg4[%add3A_47] : memref<24576xi32, #tpu.memory_space<hbm>> -> memref<128xi32, #tpu.memory_space<hbm>>
    %dma_wait3A_150 = arith.constant 0 : i32
    %dma_wait3A_151 = tpu.memref_slice %arg7[%dma_wait3A_145, %dma_wait3A_150] : memref<6x128xi32, #tpu.memory_space<vmem>> -> memref<1x128xi32, #tpu.memory_space<vmem>>
    %dma_wait3A_152 = tpu.memref_squeeze %dma_wait3A_151 : memref<1x128xi32, #tpu.memory_space<vmem>> -> memref<128xi32, #tpu.memory_space<vmem>>
    %dma_wait3A_153 = tpu.memref_slice %arg4[%add3A_47] : memref<24576xi32, #tpu.memory_space<hbm>> -> memref<128xi32, #tpu.memory_space<hbm>>
    tpu.wait_dma2 semaphore(%arg15 : memref<!tpu.dma_semaphore, #tpu.memory_space<semaphore_mem>>) src(%dma_wait3A_153 : memref<128xi32, #tpu.memory_space<hbm>>) dst(%dma_wait3A_152 : memref<128xi32, #tpu.memory_space<vmem>>)
    %dma_start3A_154 = arith.constant 4 : i32
    %dma_start3A_155 = arith.constant 4 : i32
    %dma_start3A_156 = arith.constant 0 : i32
    %dma_start3A_157 = tpu.memref_slice %arg8[%dma_start3A_155, %dma_start3A_156] : memref<6x128xf32, #tpu.memory_space<vmem>> -> memref<1x128xf32, #tpu.memory_space<vmem>>
    %dma_start3A_158 = tpu.memref_squeeze %dma_start3A_157 : memref<1x128xf32, #tpu.memory_space<vmem>> -> memref<128xf32, #tpu.memory_space<vmem>>
    %dma_start3A_159 = arith.constant 0 : i32
    %dma_start3A_160 = tpu.memref_slice %arg7[%dma_start3A_154, %dma_start3A_159] : memref<6x128xi32, #tpu.memory_space<vmem>> -> memref<1x128xi32, #tpu.memory_space<vmem>>
    %dma_start3A_161 = tpu.memref_squeeze %dma_start3A_160 : memref<1x128xi32, #tpu.memory_space<vmem>> -> memref<128xi32, #tpu.memory_space<vmem>>
    %dma_start3A_162 = arith.constant 0 : i32
    %dma_start3A_163 = tpu.memref_slice %arg2[%dma_start3A_162] : memref<67108864xf32, #tpu.memory_space<hbm>> -> memref<67108864xf32, #tpu.memory_space<hbm>>
    tpu.enqueue_indirect_dma source(%dma_start3A_163 : memref<67108864xf32, #tpu.memory_space<hbm>>) target(%dma_start3A_158 : memref<128xf32, #tpu.memory_space<vmem>>) offsets(%dma_start3A_161 : memref<128xi32, #tpu.memory_space<vmem>>) semaphore(%arg21 : memref<!tpu.dma_semaphore, #tpu.memory_space<semaphore_mem>>)
    %dma_wait3A_164 = arith.constant 5 : i32
    %dma_wait3A_165 = arith.constant 0 : i32
    %dma_wait3A_166 = tpu.memref_slice %arg7[%dma_wait3A_164, %dma_wait3A_165] : memref<6x128xi32, #tpu.memory_space<vmem>> -> memref<1x128xi32, #tpu.memory_space<vmem>>
    %dma_wait3A_167 = tpu.memref_squeeze %dma_wait3A_166 : memref<1x128xi32, #tpu.memory_space<vmem>> -> memref<128xi32, #tpu.memory_space<vmem>>
    %dma_wait3A_168 = tpu.memref_slice %arg4[%add3A_58] : memref<24576xi32, #tpu.memory_space<hbm>> -> memref<128xi32, #tpu.memory_space<hbm>>
    %dma_wait3A_169 = arith.constant 0 : i32
    %dma_wait3A_170 = tpu.memref_slice %arg7[%dma_wait3A_164, %dma_wait3A_169] : memref<6x128xi32, #tpu.memory_space<vmem>> -> memref<1x128xi32, #tpu.memory_space<vmem>>
    %dma_wait3A_171 = tpu.memref_squeeze %dma_wait3A_170 : memref<1x128xi32, #tpu.memory_space<vmem>> -> memref<128xi32, #tpu.memory_space<vmem>>
    %dma_wait3A_172 = tpu.memref_slice %arg4[%add3A_58] : memref<24576xi32, #tpu.memory_space<hbm>> -> memref<128xi32, #tpu.memory_space<hbm>>
    tpu.wait_dma2 semaphore(%arg16 : memref<!tpu.dma_semaphore, #tpu.memory_space<semaphore_mem>>) src(%dma_wait3A_172 : memref<128xi32, #tpu.memory_space<hbm>>) dst(%dma_wait3A_171 : memref<128xi32, #tpu.memory_space<vmem>>)
    %dma_start3A_173 = arith.constant 5 : i32
    %dma_start3A_174 = arith.constant 5 : i32
    %dma_start3A_175 = arith.constant 0 : i32
    %dma_start3A_176 = tpu.memref_slice %arg8[%dma_start3A_174, %dma_start3A_175] : memref<6x128xf32, #tpu.memory_space<vmem>> -> memref<1x128xf32, #tpu.memory_space<vmem>>
    %dma_start3A_177 = tpu.memref_squeeze %dma_start3A_176 : memref<1x128xf32, #tpu.memory_space<vmem>> -> memref<128xf32, #tpu.memory_space<vmem>>
    %dma_start3A_178 = arith.constant 0 : i32
    %dma_start3A_179 = tpu.memref_slice %arg7[%dma_start3A_173, %dma_start3A_178] : memref<6x128xi32, #tpu.memory_space<vmem>> -> memref<1x128xi32, #tpu.memory_space<vmem>>
    %dma_start3A_180 = tpu.memref_squeeze %dma_start3A_179 : memref<1x128xi32, #tpu.memory_space<vmem>> -> memref<128xi32, #tpu.memory_space<vmem>>
    %dma_start3A_181 = arith.constant 0 : i32
    %dma_start3A_182 = tpu.memref_slice %arg2[%dma_start3A_181] : memref<67108864xf32, #tpu.memory_space<hbm>> -> memref<67108864xf32, #tpu.memory_space<hbm>>
    tpu.enqueue_indirect_dma source(%dma_start3A_182 : memref<67108864xf32, #tpu.memory_space<hbm>>) target(%dma_start3A_177 : memref<128xf32, #tpu.memory_space<vmem>>) offsets(%dma_start3A_180 : memref<128xi32, #tpu.memory_space<vmem>>) semaphore(%arg22 : memref<!tpu.dma_semaphore, #tpu.memory_space<semaphore_mem>>)
    %dma_wait3A_183 = tpu.memref_slice %arg3[%mul3A_2] : memref<24576xf32, #tpu.memory_space<hbm>> -> memref<768xf32, #tpu.memory_space<hbm>>
    %dma_wait3A_184 = tpu.memref_slice %arg3[%mul3A_2] : memref<24576xf32, #tpu.memory_space<hbm>> -> memref<768xf32, #tpu.memory_space<hbm>>
    tpu.wait_dma2 semaphore(%arg10 : memref<!tpu.dma_semaphore, #tpu.memory_space<semaphore_mem>>) src(%dma_wait3A_184 : memref<768xf32, #tpu.memory_space<hbm>>) dst(%arg6 : memref<768xf32, #tpu.memory_space<vmem>>)
    %broadcast_in_dim3A = arith.constant 0.000000e+00 : f32
    %broadcast_in_dim3A_185 = vector.broadcast %broadcast_in_dim3A : f32 to vector<16xf32>
    %dma_wait3A_186 = arith.constant 0 : i32
    %dma_wait3A_187 = arith.constant 0 : i32
    %dma_wait3A_188 = arith.constant 0 : i32
    %dma_wait3A_189 = tpu.memref_slice %arg8[%dma_wait3A_187, %dma_wait3A_188] : memref<6x128xf32, #tpu.memory_space<vmem>> -> memref<1x128xf32, #tpu.memory_space<vmem>>
    %dma_wait3A_190 = tpu.memref_squeeze %dma_wait3A_189 : memref<1x128xf32, #tpu.memory_space<vmem>> -> memref<128xf32, #tpu.memory_space<vmem>>
    %dma_wait3A_191 = arith.constant 0 : i32
    %dma_wait3A_192 = tpu.memref_slice %arg7[%dma_wait3A_186, %dma_wait3A_191] : memref<6x128xi32, #tpu.memory_space<vmem>> -> memref<1x128xi32, #tpu.memory_space<vmem>>
    %dma_wait3A_193 = tpu.memref_squeeze %dma_wait3A_192 : memref<1x128xi32, #tpu.memory_space<vmem>> -> memref<128xi32, #tpu.memory_space<vmem>>
    %dma_wait3A_194 = arith.constant 0 : i32
    %dma_wait3A_195 = tpu.memref_slice %arg2[%dma_wait3A_194] : memref<67108864xf32, #tpu.memory_space<hbm>> -> memref<67108864xf32, #tpu.memory_space<hbm>>
    tpu.wait_indirect_dma semaphore(%arg17 : memref<!tpu.dma_semaphore, #tpu.memory_space<semaphore_mem>>) src(%dma_wait3A_195 : memref<67108864xf32, #tpu.memory_space<hbm>>) dst(%dma_wait3A_190 : memref<128xf32, #tpu.memory_space<vmem>>)
    %get3A = arith.constant 0 : i32
    %get3A_196 = arith.index_cast %get3A : i32 to index
    %get3A_197 = arith.constant 0 : index
    %get3A_198 = tpu.vector_load %arg8[%get3A_196, %get3A_197] {strides = array<i32>} : memref<6x128xf32, #tpu.memory_space<vmem>>, vector<1x16xf32>,
    %get3A_199 = vector.shape_cast %get3A_198 : vector<1x16xf32> to vector<16xf32>
    %get3A_200 = arith.constant 0 : index
    %get3A_201 = tpu.vector_load %arg6[%get3A_200] {strides = array<i32>} : memref<768xf32, #tpu.memory_space<vmem>>, vector<16xf32>,
    %get3A_202 = vector.shape_cast %get3A_201 : vector<16xf32> to vector<16xf32>
    %mul3A_203 = arith.mulf %get3A_199, %get3A_202 : vector<16xf32>
    %add3A_204 = arith.addf %broadcast_in_dim3A_185, %mul3A_203 : vector<16xf32>
    %get3A_205 = arith.constant 0 : i32
    %get3A_206 = arith.index_cast %get3A_205 : i32 to index
    %get3A_207 = arith.constant 16 : index
    %get3A_208 = tpu.vector_load %arg8[%get3A_206, %get3A_207] {strides = array<i32>} : memref<6x128xf32, #tpu.memory_space<vmem>>, vector<1x16xf32>,
    %get3A_209 = vector.shape_cast %get3A_208 : vector<1x16xf32> to vector<16xf32>
    %get3A_210 = arith.constant 16 : index
    %get3A_211 = tpu.vector_load %arg6[%get3A_210] {strides = array<i32>} : memref<768xf32, #tpu.memory_space<vmem>>, vector<16xf32>,
    %get3A_212 = vector.shape_cast %get3A_211 : vector<16xf32> to vector<16xf32>
    %mul3A_213 = arith.mulf %get3A_209, %get3A_212 : vector<16xf32>
    %add3A_214 = arith.addf %add3A_204, %mul3A_213 : vector<16xf32>
    %get3A_215 = arith.constant 0 : i32
    %get3A_216 = arith.index_cast %get3A_215 : i32 to index
    %get3A_217 = arith.constant 32 : index
    %get3A_218 = tpu.vector_load %arg8[%get3A_216, %get3A_217] {strides = array<i32>} : memref<6x128xf32, #tpu.memory_space<vmem>>, vector<1x16xf32>,
    %get3A_219 = vector.shape_cast %get3A_218 : vector<1x16xf32> to vector<16xf32>
    %get3A_220 = arith.constant 32 : index
    %get3A_221 = tpu.vector_load %arg6[%get3A_220] {strides = array<i32>} : memref<768xf32, #tpu.memory_space<vmem>>, vector<16xf32>,
    %get3A_222 = vector.shape_cast %get3A_221 : vector<16xf32> to vector<16xf32>
    %mul3A_223 = arith.mulf %get3A_219, %get3A_222 : vector<16xf32>
    %add3A_224 = arith.addf %add3A_214, %mul3A_223 : vector<16xf32>
    %get3A_225 = arith.constant 0 : i32
    %get3A_226 = arith.index_cast %get3A_225 : i32 to index
    %get3A_227 = arith.constant 48 : index
    %get3A_228 = tpu.vector_load %arg8[%get3A_226, %get3A_227] {strides = array<i32>} : memref<6x128xf32, #tpu.memory_space<vmem>>, vector<1x16xf32>,
    %get3A_229 = vector.shape_cast %get3A_228 : vector<1x16xf32> to vector<16xf32>
    %get3A_230 = arith.constant 48 : index
    %get3A_231 = tpu.vector_load %arg6[%get3A_230] {strides = array<i32>} : memref<768xf32, #tpu.memory_space<vmem>>, vector<16xf32>,
    %get3A_232 = vector.shape_cast %get3A_231 : vector<16xf32> to vector<16xf32>
    %mul3A_233 = arith.mulf %get3A_229, %get3A_232 : vector<16xf32>
    %add3A_234 = arith.addf %add3A_224, %mul3A_233 : vector<16xf32>
    %get3A_235 = arith.constant 0 : i32
    %get3A_236 = arith.index_cast %get3A_235 : i32 to index
    %get3A_237 = arith.constant 64 : index
    %get3A_238 = tpu.vector_load %arg8[%get3A_236, %get3A_237] {strides = array<i32>} : memref<6x128xf32, #tpu.memory_space<vmem>>, vector<1x16xf32>,
    %get3A_239 = vector.shape_cast %get3A_238 : vector<1x16xf32> to vector<16xf32>
    %get3A_240 = arith.constant 64 : index
    %get3A_241 = tpu.vector_load %arg6[%get3A_240] {strides = array<i32>} : memref<768xf32, #tpu.memory_space<vmem>>, vector<16xf32>,
    %get3A_242 = vector.shape_cast %get3A_241 : vector<16xf32> to vector<16xf32>
    %mul3A_243 = arith.mulf %get3A_239, %get3A_242 : vector<16xf32>
    %add3A_244 = arith.addf %add3A_234, %mul3A_243 : vector<16xf32>
    %get3A_245 = arith.constant 0 : i32
    %get3A_246 = arith.index_cast %get3A_245 : i32 to index
    %get3A_247 = arith.constant 80 : index
    %get3A_248 = tpu.vector_load %arg8[%get3A_246, %get3A_247] {strides = array<i32>} : memref<6x128xf32, #tpu.memory_space<vmem>>, vector<1x16xf32>,
    %get3A_249 = vector.shape_cast %get3A_248 : vector<1x16xf32> to vector<16xf32>
    %get3A_250 = arith.constant 80 : index
    %get3A_251 = tpu.vector_load %arg6[%get3A_250] {strides = array<i32>} : memref<768xf32, #tpu.memory_space<vmem>>, vector<16xf32>,
    %get3A_252 = vector.shape_cast %get3A_251 : vector<16xf32> to vector<16xf32>
    %mul3A_253 = arith.mulf %get3A_249, %get3A_252 : vector<16xf32>
    %add3A_254 = arith.addf %add3A_244, %mul3A_253 : vector<16xf32>
    %get3A_255 = arith.constant 0 : i32
    %get3A_256 = arith.index_cast %get3A_255 : i32 to index
    %get3A_257 = arith.constant 96 : index
    %get3A_258 = tpu.vector_load %arg8[%get3A_256, %get3A_257] {strides = array<i32>} : memref<6x128xf32, #tpu.memory_space<vmem>>, vector<1x16xf32>,
    %get3A_259 = vector.shape_cast %get3A_258 : vector<1x16xf32> to vector<16xf32>
    %get3A_260 = arith.constant 96 : index
    %get3A_261 = tpu.vector_load %arg6[%get3A_260] {strides = array<i32>} : memref<768xf32, #tpu.memory_space<vmem>>, vector<16xf32>,
    %get3A_262 = vector.shape_cast %get3A_261 : vector<16xf32> to vector<16xf32>
    %mul3A_263 = arith.mulf %get3A_259, %get3A_262 : vector<16xf32>
    %add3A_264 = arith.addf %add3A_254, %mul3A_263 : vector<16xf32>
    %get3A_265 = arith.constant 0 : i32
    %get3A_266 = arith.index_cast %get3A_265 : i32 to index
    %get3A_267 = arith.constant 112 : index
    %get3A_268 = tpu.vector_load %arg8[%get3A_266, %get3A_267] {strides = array<i32>} : memref<6x128xf32, #tpu.memory_space<vmem>>, vector<1x16xf32>,
    %get3A_269 = vector.shape_cast %get3A_268 : vector<1x16xf32> to vector<16xf32>
    %get3A_270 = arith.constant 112 : index
    %get3A_271 = tpu.vector_load %arg6[%get3A_270] {strides = array<i32>} : memref<768xf32, #tpu.memory_space<vmem>>, vector<16xf32>,
    %get3A_272 = vector.shape_cast %get3A_271 : vector<16xf32> to vector<16xf32>
    %mul3A_273 = arith.mulf %get3A_269, %get3A_272 : vector<16xf32>
    %add3A_274 = arith.addf %add3A_264, %mul3A_273 : vector<16xf32>
    %dma_wait3A_275 = arith.constant 1 : i32
    %dma_wait3A_276 = arith.constant 1 : i32
    %dma_wait3A_277 = arith.constant 0 : i32
    %dma_wait3A_278 = tpu.memref_slice %arg8[%dma_wait3A_276, %dma_wait3A_277] : memref<6x128xf32, #tpu.memory_space<vmem>> -> memref<1x128xf32, #tpu.memory_space<vmem>>
    %dma_wait3A_279 = tpu.memref_squeeze %dma_wait3A_278 : memref<1x128xf32, #tpu.memory_space<vmem>> -> memref<128xf32, #tpu.memory_space<vmem>>
    %dma_wait3A_280 = arith.constant 0 : i32
    %dma_wait3A_281 = tpu.memref_slice %arg7[%dma_wait3A_275, %dma_wait3A_280] : memref<6x128xi32, #tpu.memory_space<vmem>> -> memref<1x128xi32, #tpu.memory_space<vmem>>
    %dma_wait3A_282 = tpu.memref_squeeze %dma_wait3A_281 : memref<1x128xi32, #tpu.memory_space<vmem>> -> memref<128xi32, #tpu.memory_space<vmem>>
    %dma_wait3A_283 = arith.constant 0 : i32
    %dma_wait3A_284 = tpu.memref_slice %arg2[%dma_wait3A_283] : memref<67108864xf32, #tpu.memory_space<hbm>> -> memref<67108864xf32, #tpu.memory_space<hbm>>
    tpu.wait_indirect_dma semaphore(%arg18 : memref<!tpu.dma_semaphore, #tpu.memory_space<semaphore_mem>>) src(%dma_wait3A_284 : memref<67108864xf32, #tpu.memory_space<hbm>>) dst(%dma_wait3A_279 : memref<128xf32, #tpu.memory_space<vmem>>)
    %get3A_285 = arith.constant 1 : i32
    %get3A_286 = arith.index_cast %get3A_285 : i32 to index
    %get3A_287 = arith.constant 0 : index
    %get3A_288 = tpu.vector_load %arg8[%get3A_286, %get3A_287] {strides = array<i32>} : memref<6x128xf32, #tpu.memory_space<vmem>>, vector<1x16xf32>,
    %get3A_289 = vector.shape_cast %get3A_288 : vector<1x16xf32> to vector<16xf32>
    %get3A_290 = arith.constant 128 : index
    %get3A_291 = tpu.vector_load %arg6[%get3A_290] {strides = array<i32>} : memref<768xf32, #tpu.memory_space<vmem>>, vector<16xf32>,
    %get3A_292 = vector.shape_cast %get3A_291 : vector<16xf32> to vector<16xf32>
    %mul3A_293 = arith.mulf %get3A_289, %get3A_292 : vector<16xf32>
    %add3A_294 = arith.addf %add3A_274, %mul3A_293 : vector<16xf32>
    %get3A_295 = arith.constant 1 : i32
    %get3A_296 = arith.index_cast %get3A_295 : i32 to index
    %get3A_297 = arith.constant 16 : index
    %get3A_298 = tpu.vector_load %arg8[%get3A_296, %get3A_297] {strides = array<i32>} : memref<6x128xf32, #tpu.memory_space<vmem>>, vector<1x16xf32>,
    %get3A_299 = vector.shape_cast %get3A_298 : vector<1x16xf32> to vector<16xf32>
    %get3A_300 = arith.constant 144 : index
    %get3A_301 = tpu.vector_load %arg6[%get3A_300] {strides = array<i32>} : memref<768xf32, #tpu.memory_space<vmem>>, vector<16xf32>,
    %get3A_302 = vector.shape_cast %get3A_301 : vector<16xf32> to vector<16xf32>
    %mul3A_303 = arith.mulf %get3A_299, %get3A_302 : vector<16xf32>
    %add3A_304 = arith.addf %add3A_294, %mul3A_303 : vector<16xf32>
    %get3A_305 = arith.constant 1 : i32
    %get3A_306 = arith.index_cast %get3A_305 : i32 to index
    %get3A_307 = arith.constant 32 : index
    %get3A_308 = tpu.vector_load %arg8[%get3A_306, %get3A_307] {strides = array<i32>} : memref<6x128xf32, #tpu.memory_space<vmem>>, vector<1x16xf32>,
    %get3A_309 = vector.shape_cast %get3A_308 : vector<1x16xf32> to vector<16xf32>
    %get3A_310 = arith.constant 160 : index
    %get3A_311 = tpu.vector_load %arg6[%get3A_310] {strides = array<i32>} : memref<768xf32, #tpu.memory_space<vmem>>, vector<16xf32>,
    %get3A_312 = vector.shape_cast %get3A_311 : vector<16xf32> to vector<16xf32>
    %mul3A_313 = arith.mulf %get3A_309, %get3A_312 : vector<16xf32>
    %add3A_314 = arith.addf %add3A_304, %mul3A_313 : vector<16xf32>
    %get3A_315 = arith.constant 1 : i32
    %get3A_316 = arith.index_cast %get3A_315 : i32 to index
    %get3A_317 = arith.constant 48 : index
    %get3A_318 = tpu.vector_load %arg8[%get3A_316, %get3A_317] {strides = array<i32>} : memref<6x128xf32, #tpu.memory_space<vmem>>, vector<1x16xf32>,
    %get3A_319 = vector.shape_cast %get3A_318 : vector<1x16xf32> to vector<16xf32>
    %get3A_320 = arith.constant 176 : index
    %get3A_321 = tpu.vector_load %arg6[%get3A_320] {strides = array<i32>} : memref<768xf32, #tpu.memory_space<vmem>>, vector<16xf32>,
    %get3A_322 = vector.shape_cast %get3A_321 : vector<16xf32> to vector<16xf32>
    %mul3A_323 = arith.mulf %get3A_319, %get3A_322 : vector<16xf32>
    %add3A_324 = arith.addf %add3A_314, %mul3A_323 : vector<16xf32>
    %get3A_325 = arith.constant 1 : i32
    %get3A_326 = arith.index_cast %get3A_325 : i32 to index
    %get3A_327 = arith.constant 64 : index
    %get3A_328 = tpu.vector_load %arg8[%get3A_326, %get3A_327] {strides = array<i32>} : memref<6x128xf32, #tpu.memory_space<vmem>>, vector<1x16xf32>,
    %get3A_329 = vector.shape_cast %get3A_328 : vector<1x16xf32> to vector<16xf32>
    %get3A_330 = arith.constant 192 : index
    %get3A_331 = tpu.vector_load %arg6[%get3A_330] {strides = array<i32>} : memref<768xf32, #tpu.memory_space<vmem>>, vector<16xf32>,
    %get3A_332 = vector.shape_cast %get3A_331 : vector<16xf32> to vector<16xf32>
    %mul3A_333 = arith.mulf %get3A_329, %get3A_332 : vector<16xf32>
    %add3A_334 = arith.addf %add3A_324, %mul3A_333 : vector<16xf32>
    %get3A_335 = arith.constant 1 : i32
    %get3A_336 = arith.index_cast %get3A_335 : i32 to index
    %get3A_337 = arith.constant 80 : index
    %get3A_338 = tpu.vector_load %arg8[%get3A_336, %get3A_337] {strides = array<i32>} : memref<6x128xf32, #tpu.memory_space<vmem>>, vector<1x16xf32>,
    %get3A_339 = vector.shape_cast %get3A_338 : vector<1x16xf32> to vector<16xf32>
    %get3A_340 = arith.constant 208 : index
    %get3A_341 = tpu.vector_load %arg6[%get3A_340] {strides = array<i32>} : memref<768xf32, #tpu.memory_space<vmem>>, vector<16xf32>,
    %get3A_342 = vector.shape_cast %get3A_341 : vector<16xf32> to vector<16xf32>
    %mul3A_343 = arith.mulf %get3A_339, %get3A_342 : vector<16xf32>
    %add3A_344 = arith.addf %add3A_334, %mul3A_343 : vector<16xf32>
    %get3A_345 = arith.constant 1 : i32
    %get3A_346 = arith.index_cast %get3A_345 : i32 to index
    %get3A_347 = arith.constant 96 : index
    %get3A_348 = tpu.vector_load %arg8[%get3A_346, %get3A_347] {strides = array<i32>} : memref<6x128xf32, #tpu.memory_space<vmem>>, vector<1x16xf32>,
    %get3A_349 = vector.shape_cast %get3A_348 : vector<1x16xf32> to vector<16xf32>
    %get3A_350 = arith.constant 224 : index
    %get3A_351 = tpu.vector_load %arg6[%get3A_350] {strides = array<i32>} : memref<768xf32, #tpu.memory_space<vmem>>, vector<16xf32>,
    %get3A_352 = vector.shape_cast %get3A_351 : vector<16xf32> to vector<16xf32>
    %mul3A_353 = arith.mulf %get3A_349, %get3A_352 : vector<16xf32>
    %add3A_354 = arith.addf %add3A_344, %mul3A_353 : vector<16xf32>
    %get3A_355 = arith.constant 1 : i32
    %get3A_356 = arith.index_cast %get3A_355 : i32 to index
    %get3A_357 = arith.constant 112 : index
    %get3A_358 = tpu.vector_load %arg8[%get3A_356, %get3A_357] {strides = array<i32>} : memref<6x128xf32, #tpu.memory_space<vmem>>, vector<1x16xf32>,
    %get3A_359 = vector.shape_cast %get3A_358 : vector<1x16xf32> to vector<16xf32>
    %get3A_360 = arith.constant 240 : index
    %get3A_361 = tpu.vector_load %arg6[%get3A_360] {strides = array<i32>} : memref<768xf32, #tpu.memory_space<vmem>>, vector<16xf32>,
    %get3A_362 = vector.shape_cast %get3A_361 : vector<16xf32> to vector<16xf32>
    %mul3A_363 = arith.mulf %get3A_359, %get3A_362 : vector<16xf32>
    %add3A_364 = arith.addf %add3A_354, %mul3A_363 : vector<16xf32>
    %dma_wait3A_365 = arith.constant 2 : i32
    %dma_wait3A_366 = arith.constant 2 : i32
    %dma_wait3A_367 = arith.constant 0 : i32
    %dma_wait3A_368 = tpu.memref_slice %arg8[%dma_wait3A_366, %dma_wait3A_367] : memref<6x128xf32, #tpu.memory_space<vmem>> -> memref<1x128xf32, #tpu.memory_space<vmem>>
    %dma_wait3A_369 = tpu.memref_squeeze %dma_wait3A_368 : memref<1x128xf32, #tpu.memory_space<vmem>> -> memref<128xf32, #tpu.memory_space<vmem>>
    %dma_wait3A_370 = arith.constant 0 : i32
    %dma_wait3A_371 = tpu.memref_slice %arg7[%dma_wait3A_365, %dma_wait3A_370] : memref<6x128xi32, #tpu.memory_space<vmem>> -> memref<1x128xi32, #tpu.memory_space<vmem>>
    %dma_wait3A_372 = tpu.memref_squeeze %dma_wait3A_371 : memref<1x128xi32, #tpu.memory_space<vmem>> -> memref<128xi32, #tpu.memory_space<vmem>>
    %dma_wait3A_373 = arith.constant 0 : i32
    %dma_wait3A_374 = tpu.memref_slice %arg2[%dma_wait3A_373] : memref<67108864xf32, #tpu.memory_space<hbm>> -> memref<67108864xf32, #tpu.memory_space<hbm>>
    tpu.wait_indirect_dma semaphore(%arg19 : memref<!tpu.dma_semaphore, #tpu.memory_space<semaphore_mem>>) src(%dma_wait3A_374 : memref<67108864xf32, #tpu.memory_space<hbm>>) dst(%dma_wait3A_369 : memref<128xf32, #tpu.memory_space<vmem>>)
    %get3A_375 = arith.constant 2 : i32
    %get3A_376 = arith.index_cast %get3A_375 : i32 to index
    %get3A_377 = arith.constant 0 : index
    %get3A_378 = tpu.vector_load %arg8[%get3A_376, %get3A_377] {strides = array<i32>} : memref<6x128xf32, #tpu.memory_space<vmem>>, vector<1x16xf32>,
    %get3A_379 = vector.shape_cast %get3A_378 : vector<1x16xf32> to vector<16xf32>
    %get3A_380 = arith.constant 256 : index
    %get3A_381 = tpu.vector_load %arg6[%get3A_380] {strides = array<i32>} : memref<768xf32, #tpu.memory_space<vmem>>, vector<16xf32>,
    %get3A_382 = vector.shape_cast %get3A_381 : vector<16xf32> to vector<16xf32>
    %mul3A_383 = arith.mulf %get3A_379, %get3A_382 : vector<16xf32>
    %add3A_384 = arith.addf %add3A_364, %mul3A_383 : vector<16xf32>
    %get3A_385 = arith.constant 2 : i32
    %get3A_386 = arith.index_cast %get3A_385 : i32 to index
    %get3A_387 = arith.constant 16 : index
    %get3A_388 = tpu.vector_load %arg8[%get3A_386, %get3A_387] {strides = array<i32>} : memref<6x128xf32, #tpu.memory_space<vmem>>, vector<1x16xf32>,
    %get3A_389 = vector.shape_cast %get3A_388 : vector<1x16xf32> to vector<16xf32>
    %get3A_390 = arith.constant 272 : index
    %get3A_391 = tpu.vector_load %arg6[%get3A_390] {strides = array<i32>} : memref<768xf32, #tpu.memory_space<vmem>>, vector<16xf32>,
    %get3A_392 = vector.shape_cast %get3A_391 : vector<16xf32> to vector<16xf32>
    %mul3A_393 = arith.mulf %get3A_389, %get3A_392 : vector<16xf32>
    %add3A_394 = arith.addf %add3A_384, %mul3A_393 : vector<16xf32>
    %get3A_395 = arith.constant 2 : i32
    %get3A_396 = arith.index_cast %get3A_395 : i32 to index
    %get3A_397 = arith.constant 32 : index
    %get3A_398 = tpu.vector_load %arg8[%get3A_396, %get3A_397] {strides = array<i32>} : memref<6x128xf32, #tpu.memory_space<vmem>>, vector<1x16xf32>,
    %get3A_399 = vector.shape_cast %get3A_398 : vector<1x16xf32> to vector<16xf32>
    %get3A_400 = arith.constant 288 : index
    %get3A_401 = tpu.vector_load %arg6[%get3A_400] {strides = array<i32>} : memref<768xf32, #tpu.memory_space<vmem>>, vector<16xf32>,
    %get3A_402 = vector.shape_cast %get3A_401 : vector<16xf32> to vector<16xf32>
    %mul3A_403 = arith.mulf %get3A_399, %get3A_402 : vector<16xf32>
    %add3A_404 = arith.addf %add3A_394, %mul3A_403 : vector<16xf32>
    %get3A_405 = arith.constant 2 : i32
    %get3A_406 = arith.index_cast %get3A_405 : i32 to index
    %get3A_407 = arith.constant 48 : index
    %get3A_408 = tpu.vector_load %arg8[%get3A_406, %get3A_407] {strides = array<i32>} : memref<6x128xf32, #tpu.memory_space<vmem>>, vector<1x16xf32>,
    %get3A_409 = vector.shape_cast %get3A_408 : vector<1x16xf32> to vector<16xf32>
    %get3A_410 = arith.constant 304 : index
    %get3A_411 = tpu.vector_load %arg6[%get3A_410] {strides = array<i32>} : memref<768xf32, #tpu.memory_space<vmem>>, vector<16xf32>,
    %get3A_412 = vector.shape_cast %get3A_411 : vector<16xf32> to vector<16xf32>
    %mul3A_413 = arith.mulf %get3A_409, %get3A_412 : vector<16xf32>
    %add3A_414 = arith.addf %add3A_404, %mul3A_413 : vector<16xf32>
    %get3A_415 = arith.constant 2 : i32
    %get3A_416 = arith.index_cast %get3A_415 : i32 to index
    %get3A_417 = arith.constant 64 : index
    %get3A_418 = tpu.vector_load %arg8[%get3A_416, %get3A_417] {strides = array<i32>} : memref<6x128xf32, #tpu.memory_space<vmem>>, vector<1x16xf32>,
    %get3A_419 = vector.shape_cast %get3A_418 : vector<1x16xf32> to vector<16xf32>
    %get3A_420 = arith.constant 320 : index
    %get3A_421 = tpu.vector_load %arg6[%get3A_420] {strides = array<i32>} : memref<768xf32, #tpu.memory_space<vmem>>, vector<16xf32>,
    %get3A_422 = vector.shape_cast %get3A_421 : vector<16xf32> to vector<16xf32>
    %mul3A_423 = arith.mulf %get3A_419, %get3A_422 : vector<16xf32>
    %add3A_424 = arith.addf %add3A_414, %mul3A_423 : vector<16xf32>
    %get3A_425 = arith.constant 2 : i32
    %get3A_426 = arith.index_cast %get3A_425 : i32 to index
    %get3A_427 = arith.constant 80 : index
    %get3A_428 = tpu.vector_load %arg8[%get3A_426, %get3A_427] {strides = array<i32>} : memref<6x128xf32, #tpu.memory_space<vmem>>, vector<1x16xf32>,
    %get3A_429 = vector.shape_cast %get3A_428 : vector<1x16xf32> to vector<16xf32>
    %get3A_430 = arith.constant 336 : index
    %get3A_431 = tpu.vector_load %arg6[%get3A_430] {strides = array<i32>} : memref<768xf32, #tpu.memory_space<vmem>>, vector<16xf32>,
    %get3A_432 = vector.shape_cast %get3A_431 : vector<16xf32> to vector<16xf32>
    %mul3A_433 = arith.mulf %get3A_429, %get3A_432 : vector<16xf32>
    %add3A_434 = arith.addf %add3A_424, %mul3A_433 : vector<16xf32>
    %get3A_435 = arith.constant 2 : i32
    %get3A_436 = arith.index_cast %get3A_435 : i32 to index
    %get3A_437 = arith.constant 96 : index
    %get3A_438 = tpu.vector_load %arg8[%get3A_436, %get3A_437] {strides = array<i32>} : memref<6x128xf32, #tpu.memory_space<vmem>>, vector<1x16xf32>,
    %get3A_439 = vector.shape_cast %get3A_438 : vector<1x16xf32> to vector<16xf32>
    %get3A_440 = arith.constant 352 : index
    %get3A_441 = tpu.vector_load %arg6[%get3A_440] {strides = array<i32>} : memref<768xf32, #tpu.memory_space<vmem>>, vector<16xf32>,
    %get3A_442 = vector.shape_cast %get3A_441 : vector<16xf32> to vector<16xf32>
    %mul3A_443 = arith.mulf %get3A_439, %get3A_442 : vector<16xf32>
    %add3A_444 = arith.addf %add3A_434, %mul3A_443 : vector<16xf32>
    %get3A_445 = arith.constant 2 : i32
    %get3A_446 = arith.index_cast %get3A_445 : i32 to index
    %get3A_447 = arith.constant 112 : index
    %get3A_448 = tpu.vector_load %arg8[%get3A_446, %get3A_447] {strides = array<i32>} : memref<6x128xf32, #tpu.memory_space<vmem>>, vector<1x16xf32>,
    %get3A_449 = vector.shape_cast %get3A_448 : vector<1x16xf32> to vector<16xf32>
    %get3A_450 = arith.constant 368 : index
    %get3A_451 = tpu.vector_load %arg6[%get3A_450] {strides = array<i32>} : memref<768xf32, #tpu.memory_space<vmem>>, vector<16xf32>,
    %get3A_452 = vector.shape_cast %get3A_451 : vector<16xf32> to vector<16xf32>
    %mul3A_453 = arith.mulf %get3A_449, %get3A_452 : vector<16xf32>
    %add3A_454 = arith.addf %add3A_444, %mul3A_453 : vector<16xf32>
    %dma_wait3A_455 = arith.constant 3 : i32
    %dma_wait3A_456 = arith.constant 3 : i32
    %dma_wait3A_457 = arith.constant 0 : i32
    %dma_wait3A_458 = tpu.memref_slice %arg8[%dma_wait3A_456, %dma_wait3A_457] : memref<6x128xf32, #tpu.memory_space<vmem>> -> memref<1x128xf32, #tpu.memory_space<vmem>>
    %dma_wait3A_459 = tpu.memref_squeeze %dma_wait3A_458 : memref<1x128xf32, #tpu.memory_space<vmem>> -> memref<128xf32, #tpu.memory_space<vmem>>
    %dma_wait3A_460 = arith.constant 0 : i32
    %dma_wait3A_461 = tpu.memref_slice %arg7[%dma_wait3A_455, %dma_wait3A_460] : memref<6x128xi32, #tpu.memory_space<vmem>> -> memref<1x128xi32, #tpu.memory_space<vmem>>
    %dma_wait3A_462 = tpu.memref_squeeze %dma_wait3A_461 : memref<1x128xi32, #tpu.memory_space<vmem>> -> memref<128xi32, #tpu.memory_space<vmem>>
    %dma_wait3A_463 = arith.constant 0 : i32
    %dma_wait3A_464 = tpu.memref_slice %arg2[%dma_wait3A_463] : memref<67108864xf32, #tpu.memory_space<hbm>> -> memref<67108864xf32, #tpu.memory_space<hbm>>
    tpu.wait_indirect_dma semaphore(%arg20 : memref<!tpu.dma_semaphore, #tpu.memory_space<semaphore_mem>>) src(%dma_wait3A_464 : memref<67108864xf32, #tpu.memory_space<hbm>>) dst(%dma_wait3A_459 : memref<128xf32, #tpu.memory_space<vmem>>)
    %get3A_465 = arith.constant 3 : i32
    %get3A_466 = arith.index_cast %get3A_465 : i32 to index
    %get3A_467 = arith.constant 0 : index
    %get3A_468 = tpu.vector_load %arg8[%get3A_466, %get3A_467] {strides = array<i32>} : memref<6x128xf32, #tpu.memory_space<vmem>>, vector<1x16xf32>,
    %get3A_469 = vector.shape_cast %get3A_468 : vector<1x16xf32> to vector<16xf32>
    %get3A_470 = arith.constant 384 : index
    %get3A_471 = tpu.vector_load %arg6[%get3A_470] {strides = array<i32>} : memref<768xf32, #tpu.memory_space<vmem>>, vector<16xf32>,
    %get3A_472 = vector.shape_cast %get3A_471 : vector<16xf32> to vector<16xf32>
    %mul3A_473 = arith.mulf %get3A_469, %get3A_472 : vector<16xf32>
    %add3A_474 = arith.addf %add3A_454, %mul3A_473 : vector<16xf32>
    %get3A_475 = arith.constant 3 : i32
    %get3A_476 = arith.index_cast %get3A_475 : i32 to index
    %get3A_477 = arith.constant 16 : index
    %get3A_478 = tpu.vector_load %arg8[%get3A_476, %get3A_477] {strides = array<i32>} : memref<6x128xf32, #tpu.memory_space<vmem>>, vector<1x16xf32>,
    %get3A_479 = vector.shape_cast %get3A_478 : vector<1x16xf32> to vector<16xf32>
    %get3A_480 = arith.constant 400 : index
    %get3A_481 = tpu.vector_load %arg6[%get3A_480] {strides = array<i32>} : memref<768xf32, #tpu.memory_space<vmem>>, vector<16xf32>,
    %get3A_482 = vector.shape_cast %get3A_481 : vector<16xf32> to vector<16xf32>
    %mul3A_483 = arith.mulf %get3A_479, %get3A_482 : vector<16xf32>
    %add3A_484 = arith.addf %add3A_474, %mul3A_483 : vector<16xf32>
    %get3A_485 = arith.constant 3 : i32
    %get3A_486 = arith.index_cast %get3A_485 : i32 to index
    %get3A_487 = arith.constant 32 : index
    %get3A_488 = tpu.vector_load %arg8[%get3A_486, %get3A_487] {strides = array<i32>} : memref<6x128xf32, #tpu.memory_space<vmem>>, vector<1x16xf32>,
    %get3A_489 = vector.shape_cast %get3A_488 : vector<1x16xf32> to vector<16xf32>
    %get3A_490 = arith.constant 416 : index
    %get3A_491 = tpu.vector_load %arg6[%get3A_490] {strides = array<i32>} : memref<768xf32, #tpu.memory_space<vmem>>, vector<16xf32>,
    %get3A_492 = vector.shape_cast %get3A_491 : vector<16xf32> to vector<16xf32>
    %mul3A_493 = arith.mulf %get3A_489, %get3A_492 : vector<16xf32>
    %add3A_494 = arith.addf %add3A_484, %mul3A_493 : vector<16xf32>
    %get3A_495 = arith.constant 3 : i32
    %get3A_496 = arith.index_cast %get3A_495 : i32 to index
    %get3A_497 = arith.constant 48 : index
    %get3A_498 = tpu.vector_load %arg8[%get3A_496, %get3A_497] {strides = array<i32>} : memref<6x128xf32, #tpu.memory_space<vmem>>, vector<1x16xf32>,
    %get3A_499 = vector.shape_cast %get3A_498 : vector<1x16xf32> to vector<16xf32>
    %get3A_500 = arith.constant 432 : index
    %get3A_501 = tpu.vector_load %arg6[%get3A_500] {strides = array<i32>} : memref<768xf32, #tpu.memory_space<vmem>>, vector<16xf32>,
    %get3A_502 = vector.shape_cast %get3A_501 : vector<16xf32> to vector<16xf32>
    %mul3A_503 = arith.mulf %get3A_499, %get3A_502 : vector<16xf32>
    %add3A_504 = arith.addf %add3A_494, %mul3A_503 : vector<16xf32>
    %get3A_505 = arith.constant 3 : i32
    %get3A_506 = arith.index_cast %get3A_505 : i32 to index
    %get3A_507 = arith.constant 64 : index
    %get3A_508 = tpu.vector_load %arg8[%get3A_506, %get3A_507] {strides = array<i32>} : memref<6x128xf32, #tpu.memory_space<vmem>>, vector<1x16xf32>,
    %get3A_509 = vector.shape_cast %get3A_508 : vector<1x16xf32> to vector<16xf32>
    %get3A_510 = arith.constant 448 : index
    %get3A_511 = tpu.vector_load %arg6[%get3A_510] {strides = array<i32>} : memref<768xf32, #tpu.memory_space<vmem>>, vector<16xf32>,
    %get3A_512 = vector.shape_cast %get3A_511 : vector<16xf32> to vector<16xf32>
    %mul3A_513 = arith.mulf %get3A_509, %get3A_512 : vector<16xf32>
    %add3A_514 = arith.addf %add3A_504, %mul3A_513 : vector<16xf32>
    %get3A_515 = arith.constant 3 : i32
    %get3A_516 = arith.index_cast %get3A_515 : i32 to index
    %get3A_517 = arith.constant 80 : index
    %get3A_518 = tpu.vector_load %arg8[%get3A_516, %get3A_517] {strides = array<i32>} : memref<6x128xf32, #tpu.memory_space<vmem>>, vector<1x16xf32>,
    %get3A_519 = vector.shape_cast %get3A_518 : vector<1x16xf32> to vector<16xf32>
    %get3A_520 = arith.constant 464 : index
    %get3A_521 = tpu.vector_load %arg6[%get3A_520] {strides = array<i32>} : memref<768xf32, #tpu.memory_space<vmem>>, vector<16xf32>,
    %get3A_522 = vector.shape_cast %get3A_521 : vector<16xf32> to vector<16xf32>
    %mul3A_523 = arith.mulf %get3A_519, %get3A_522 : vector<16xf32>
    %add3A_524 = arith.addf %add3A_514, %mul3A_523 : vector<16xf32>
    %get3A_525 = arith.constant 3 : i32
    %get3A_526 = arith.index_cast %get3A_525 : i32 to index
    %get3A_527 = arith.constant 96 : index
    %get3A_528 = tpu.vector_load %arg8[%get3A_526, %get3A_527] {strides = array<i32>} : memref<6x128xf32, #tpu.memory_space<vmem>>, vector<1x16xf32>,
    %get3A_529 = vector.shape_cast %get3A_528 : vector<1x16xf32> to vector<16xf32>
    %get3A_530 = arith.constant 480 : index
    %get3A_531 = tpu.vector_load %arg6[%get3A_530] {strides = array<i32>} : memref<768xf32, #tpu.memory_space<vmem>>, vector<16xf32>,
    %get3A_532 = vector.shape_cast %get3A_531 : vector<16xf32> to vector<16xf32>
    %mul3A_533 = arith.mulf %get3A_529, %get3A_532 : vector<16xf32>
    %add3A_534 = arith.addf %add3A_524, %mul3A_533 : vector<16xf32>
    %get3A_535 = arith.constant 3 : i32
    %get3A_536 = arith.index_cast %get3A_535 : i32 to index
    %get3A_537 = arith.constant 112 : index
    %get3A_538 = tpu.vector_load %arg8[%get3A_536, %get3A_537] {strides = array<i32>} : memref<6x128xf32, #tpu.memory_space<vmem>>, vector<1x16xf32>,
    %get3A_539 = vector.shape_cast %get3A_538 : vector<1x16xf32> to vector<16xf32>
    %get3A_540 = arith.constant 496 : index
    %get3A_541 = tpu.vector_load %arg6[%get3A_540] {strides = array<i32>} : memref<768xf32, #tpu.memory_space<vmem>>, vector<16xf32>,
    %get3A_542 = vector.shape_cast %get3A_541 : vector<16xf32> to vector<16xf32>
    %mul3A_543 = arith.mulf %get3A_539, %get3A_542 : vector<16xf32>
    %add3A_544 = arith.addf %add3A_534, %mul3A_543 : vector<16xf32>
    %dma_wait3A_545 = arith.constant 4 : i32
    %dma_wait3A_546 = arith.constant 4 : i32
    %dma_wait3A_547 = arith.constant 0 : i32
    %dma_wait3A_548 = tpu.memref_slice %arg8[%dma_wait3A_546, %dma_wait3A_547] : memref<6x128xf32, #tpu.memory_space<vmem>> -> memref<1x128xf32, #tpu.memory_space<vmem>>
    %dma_wait3A_549 = tpu.memref_squeeze %dma_wait3A_548 : memref<1x128xf32, #tpu.memory_space<vmem>> -> memref<128xf32, #tpu.memory_space<vmem>>
    %dma_wait3A_550 = arith.constant 0 : i32
    %dma_wait3A_551 = tpu.memref_slice %arg7[%dma_wait3A_545, %dma_wait3A_550] : memref<6x128xi32, #tpu.memory_space<vmem>> -> memref<1x128xi32, #tpu.memory_space<vmem>>
    %dma_wait3A_552 = tpu.memref_squeeze %dma_wait3A_551 : memref<1x128xi32, #tpu.memory_space<vmem>> -> memref<128xi32, #tpu.memory_space<vmem>>
    %dma_wait3A_553 = arith.constant 0 : i32
    %dma_wait3A_554 = tpu.memref_slice %arg2[%dma_wait3A_553] : memref<67108864xf32, #tpu.memory_space<hbm>> -> memref<67108864xf32, #tpu.memory_space<hbm>>
    tpu.wait_indirect_dma semaphore(%arg21 : memref<!tpu.dma_semaphore, #tpu.memory_space<semaphore_mem>>) src(%dma_wait3A_554 : memref<67108864xf32, #tpu.memory_space<hbm>>) dst(%dma_wait3A_549 : memref<128xf32, #tpu.memory_space<vmem>>)
    %get3A_555 = arith.constant 4 : i32
    %get3A_556 = arith.index_cast %get3A_555 : i32 to index
    %get3A_557 = arith.constant 0 : index
    %get3A_558 = tpu.vector_load %arg8[%get3A_556, %get3A_557] {strides = array<i32>} : memref<6x128xf32, #tpu.memory_space<vmem>>, vector<1x16xf32>,
    %get3A_559 = vector.shape_cast %get3A_558 : vector<1x16xf32> to vector<16xf32>
    %get3A_560 = arith.constant 512 : index
    %get3A_561 = tpu.vector_load %arg6[%get3A_560] {strides = array<i32>} : memref<768xf32, #tpu.memory_space<vmem>>, vector<16xf32>,
    %get3A_562 = vector.shape_cast %get3A_561 : vector<16xf32> to vector<16xf32>
    %mul3A_563 = arith.mulf %get3A_559, %get3A_562 : vector<16xf32>
    %add3A_564 = arith.addf %add3A_544, %mul3A_563 : vector<16xf32>
    %get3A_565 = arith.constant 4 : i32
    %get3A_566 = arith.index_cast %get3A_565 : i32 to index
    %get3A_567 = arith.constant 16 : index
    %get3A_568 = tpu.vector_load %arg8[%get3A_566, %get3A_567] {strides = array<i32>} : memref<6x128xf32, #tpu.memory_space<vmem>>, vector<1x16xf32>,
    %get3A_569 = vector.shape_cast %get3A_568 : vector<1x16xf32> to vector<16xf32>
    %get3A_570 = arith.constant 528 : index
    %get3A_571 = tpu.vector_load %arg6[%get3A_570] {strides = array<i32>} : memref<768xf32, #tpu.memory_space<vmem>>, vector<16xf32>,
    %get3A_572 = vector.shape_cast %get3A_571 : vector<16xf32> to vector<16xf32>
    %mul3A_573 = arith.mulf %get3A_569, %get3A_572 : vector<16xf32>
    %add3A_574 = arith.addf %add3A_564, %mul3A_573 : vector<16xf32>
    %get3A_575 = arith.constant 4 : i32
    %get3A_576 = arith.index_cast %get3A_575 : i32 to index
    %get3A_577 = arith.constant 32 : index
    %get3A_578 = tpu.vector_load %arg8[%get3A_576, %get3A_577] {strides = array<i32>} : memref<6x128xf32, #tpu.memory_space<vmem>>, vector<1x16xf32>,
    %get3A_579 = vector.shape_cast %get3A_578 : vector<1x16xf32> to vector<16xf32>
    %get3A_580 = arith.constant 544 : index
    %get3A_581 = tpu.vector_load %arg6[%get3A_580] {strides = array<i32>} : memref<768xf32, #tpu.memory_space<vmem>>, vector<16xf32>,
    %get3A_582 = vector.shape_cast %get3A_581 : vector<16xf32> to vector<16xf32>
    %mul3A_583 = arith.mulf %get3A_579, %get3A_582 : vector<16xf32>
    %add3A_584 = arith.addf %add3A_574, %mul3A_583 : vector<16xf32>
    %get3A_585 = arith.constant 4 : i32
    %get3A_586 = arith.index_cast %get3A_585 : i32 to index
    %get3A_587 = arith.constant 48 : index
    %get3A_588 = tpu.vector_load %arg8[%get3A_586, %get3A_587] {strides = array<i32>} : memref<6x128xf32, #tpu.memory_space<vmem>>, vector<1x16xf32>,
    %get3A_589 = vector.shape_cast %get3A_588 : vector<1x16xf32> to vector<16xf32>
    %get3A_590 = arith.constant 560 : index
    %get3A_591 = tpu.vector_load %arg6[%get3A_590] {strides = array<i32>} : memref<768xf32, #tpu.memory_space<vmem>>, vector<16xf32>,
    %get3A_592 = vector.shape_cast %get3A_591 : vector<16xf32> to vector<16xf32>
    %mul3A_593 = arith.mulf %get3A_589, %get3A_592 : vector<16xf32>
    %add3A_594 = arith.addf %add3A_584, %mul3A_593 : vector<16xf32>
    %get3A_595 = arith.constant 4 : i32
    %get3A_596 = arith.index_cast %get3A_595 : i32 to index
    %get3A_597 = arith.constant 64 : index
    %get3A_598 = tpu.vector_load %arg8[%get3A_596, %get3A_597] {strides = array<i32>} : memref<6x128xf32, #tpu.memory_space<vmem>>, vector<1x16xf32>,
    %get3A_599 = vector.shape_cast %get3A_598 : vector<1x16xf32> to vector<16xf32>
    %get3A_600 = arith.constant 576 : index
    %get3A_601 = tpu.vector_load %arg6[%get3A_600] {strides = array<i32>} : memref<768xf32, #tpu.memory_space<vmem>>, vector<16xf32>,
    %get3A_602 = vector.shape_cast %get3A_601 : vector<16xf32> to vector<16xf32>
    %mul3A_603 = arith.mulf %get3A_599, %get3A_602 : vector<16xf32>
    %add3A_604 = arith.addf %add3A_594, %mul3A_603 : vector<16xf32>
    %get3A_605 = arith.constant 4 : i32
    %get3A_606 = arith.index_cast %get3A_605 : i32 to index
    %get3A_607 = arith.constant 80 : index
    %get3A_608 = tpu.vector_load %arg8[%get3A_606, %get3A_607] {strides = array<i32>} : memref<6x128xf32, #tpu.memory_space<vmem>>, vector<1x16xf32>,
    %get3A_609 = vector.shape_cast %get3A_608 : vector<1x16xf32> to vector<16xf32>
    %get3A_610 = arith.constant 592 : index
    %get3A_611 = tpu.vector_load %arg6[%get3A_610] {strides = array<i32>} : memref<768xf32, #tpu.memory_space<vmem>>, vector<16xf32>,
    %get3A_612 = vector.shape_cast %get3A_611 : vector<16xf32> to vector<16xf32>
    %mul3A_613 = arith.mulf %get3A_609, %get3A_612 : vector<16xf32>
    %add3A_614 = arith.addf %add3A_604, %mul3A_613 : vector<16xf32>
    %get3A_615 = arith.constant 4 : i32
    %get3A_616 = arith.index_cast %get3A_615 : i32 to index
    %get3A_617 = arith.constant 96 : index
    %get3A_618 = tpu.vector_load %arg8[%get3A_616, %get3A_617] {strides = array<i32>} : memref<6x128xf32, #tpu.memory_space<vmem>>, vector<1x16xf32>,
    %get3A_619 = vector.shape_cast %get3A_618 : vector<1x16xf32> to vector<16xf32>
    %get3A_620 = arith.constant 608 : index
    %get3A_621 = tpu.vector_load %arg6[%get3A_620] {strides = array<i32>} : memref<768xf32, #tpu.memory_space<vmem>>, vector<16xf32>,
    %get3A_622 = vector.shape_cast %get3A_621 : vector<16xf32> to vector<16xf32>
    %mul3A_623 = arith.mulf %get3A_619, %get3A_622 : vector<16xf32>
    %add3A_624 = arith.addf %add3A_614, %mul3A_623 : vector<16xf32>
    %get3A_625 = arith.constant 4 : i32
    %get3A_626 = arith.index_cast %get3A_625 : i32 to index
    %get3A_627 = arith.constant 112 : index
    %get3A_628 = tpu.vector_load %arg8[%get3A_626, %get3A_627] {strides = array<i32>} : memref<6x128xf32, #tpu.memory_space<vmem>>, vector<1x16xf32>,
    %get3A_629 = vector.shape_cast %get3A_628 : vector<1x16xf32> to vector<16xf32>
    %get3A_630 = arith.constant 624 : index
    %get3A_631 = tpu.vector_load %arg6[%get3A_630] {strides = array<i32>} : memref<768xf32, #tpu.memory_space<vmem>>, vector<16xf32>,
    %get3A_632 = vector.shape_cast %get3A_631 : vector<16xf32> to vector<16xf32>
    %mul3A_633 = arith.mulf %get3A_629, %get3A_632 : vector<16xf32>
    %add3A_634 = arith.addf %add3A_624, %mul3A_633 : vector<16xf32>
    %dma_wait3A_635 = arith.constant 5 : i32
    %dma_wait3A_636 = arith.constant 5 : i32
    %dma_wait3A_637 = arith.constant 0 : i32
    %dma_wait3A_638 = tpu.memref_slice %arg8[%dma_wait3A_636, %dma_wait3A_637] : memref<6x128xf32, #tpu.memory_space<vmem>> -> memref<1x128xf32, #tpu.memory_space<vmem>>
    %dma_wait3A_639 = tpu.memref_squeeze %dma_wait3A_638 : memref<1x128xf32, #tpu.memory_space<vmem>> -> memref<128xf32, #tpu.memory_space<vmem>>
    %dma_wait3A_640 = arith.constant 0 : i32
    %dma_wait3A_641 = tpu.memref_slice %arg7[%dma_wait3A_635, %dma_wait3A_640] : memref<6x128xi32, #tpu.memory_space<vmem>> -> memref<1x128xi32, #tpu.memory_space<vmem>>
    %dma_wait3A_642 = tpu.memref_squeeze %dma_wait3A_641 : memref<1x128xi32, #tpu.memory_space<vmem>> -> memref<128xi32, #tpu.memory_space<vmem>>
    %dma_wait3A_643 = arith.constant 0 : i32
    %dma_wait3A_644 = tpu.memref_slice %arg2[%dma_wait3A_643] : memref<67108864xf32, #tpu.memory_space<hbm>> -> memref<67108864xf32, #tpu.memory_space<hbm>>
    tpu.wait_indirect_dma semaphore(%arg22 : memref<!tpu.dma_semaphore, #tpu.memory_space<semaphore_mem>>) src(%dma_wait3A_644 : memref<67108864xf32, #tpu.memory_space<hbm>>) dst(%dma_wait3A_639 : memref<128xf32, #tpu.memory_space<vmem>>)
    %get3A_645 = arith.constant 5 : i32
    %get3A_646 = arith.index_cast %get3A_645 : i32 to index
    %get3A_647 = arith.constant 0 : index
    %get3A_648 = tpu.vector_load %arg8[%get3A_646, %get3A_647] {strides = array<i32>} : memref<6x128xf32, #tpu.memory_space<vmem>>, vector<1x16xf32>,
    %get3A_649 = vector.shape_cast %get3A_648 : vector<1x16xf32> to vector<16xf32>
    %get3A_650 = arith.constant 640 : index
    %get3A_651 = tpu.vector_load %arg6[%get3A_650] {strides = array<i32>} : memref<768xf32, #tpu.memory_space<vmem>>, vector<16xf32>,
    %get3A_652 = vector.shape_cast %get3A_651 : vector<16xf32> to vector<16xf32>
    %mul3A_653 = arith.mulf %get3A_649, %get3A_652 : vector<16xf32>
    %add3A_654 = arith.addf %add3A_634, %mul3A_653 : vector<16xf32>
    %get3A_655 = arith.constant 5 : i32
    %get3A_656 = arith.index_cast %get3A_655 : i32 to index
    %get3A_657 = arith.constant 16 : index
    %get3A_658 = tpu.vector_load %arg8[%get3A_656, %get3A_657] {strides = array<i32>} : memref<6x128xf32, #tpu.memory_space<vmem>>, vector<1x16xf32>,
    %get3A_659 = vector.shape_cast %get3A_658 : vector<1x16xf32> to vector<16xf32>
    %get3A_660 = arith.constant 656 : index
    %get3A_661 = tpu.vector_load %arg6[%get3A_660] {strides = array<i32>} : memref<768xf32, #tpu.memory_space<vmem>>, vector<16xf32>,
    %get3A_662 = vector.shape_cast %get3A_661 : vector<16xf32> to vector<16xf32>
    %mul3A_663 = arith.mulf %get3A_659, %get3A_662 : vector<16xf32>
    %add3A_664 = arith.addf %add3A_654, %mul3A_663 : vector<16xf32>
    %get3A_665 = arith.constant 5 : i32
    %get3A_666 = arith.index_cast %get3A_665 : i32 to index
    %get3A_667 = arith.constant 32 : index
    %get3A_668 = tpu.vector_load %arg8[%get3A_666, %get3A_667] {strides = array<i32>} : memref<6x128xf32, #tpu.memory_space<vmem>>, vector<1x16xf32>,
    %get3A_669 = vector.shape_cast %get3A_668 : vector<1x16xf32> to vector<16xf32>
    %get3A_670 = arith.constant 672 : index
    %get3A_671 = tpu.vector_load %arg6[%get3A_670] {strides = array<i32>} : memref<768xf32, #tpu.memory_space<vmem>>, vector<16xf32>,
    %get3A_672 = vector.shape_cast %get3A_671 : vector<16xf32> to vector<16xf32>
    %mul3A_673 = arith.mulf %get3A_669, %get3A_672 : vector<16xf32>
    %add3A_674 = arith.addf %add3A_664, %mul3A_673 : vector<16xf32>
    %get3A_675 = arith.constant 5 : i32
    %get3A_676 = arith.index_cast %get3A_675 : i32 to index
    %get3A_677 = arith.constant 48 : index
    %get3A_678 = tpu.vector_load %arg8[%get3A_676, %get3A_677] {strides = array<i32>} : memref<6x128xf32, #tpu.memory_space<vmem>>, vector<1x16xf32>,
    %get3A_679 = vector.shape_cast %get3A_678 : vector<1x16xf32> to vector<16xf32>
    %get3A_680 = arith.constant 688 : index
    %get3A_681 = tpu.vector_load %arg6[%get3A_680] {strides = array<i32>} : memref<768xf32, #tpu.memory_space<vmem>>, vector<16xf32>,
    %get3A_682 = vector.shape_cast %get3A_681 : vector<16xf32> to vector<16xf32>
    %mul3A_683 = arith.mulf %get3A_679, %get3A_682 : vector<16xf32>
    %add3A_684 = arith.addf %add3A_674, %mul3A_683 : vector<16xf32>
    %get3A_685 = arith.constant 5 : i32
    %get3A_686 = arith.index_cast %get3A_685 : i32 to index
    %get3A_687 = arith.constant 64 : index
    %get3A_688 = tpu.vector_load %arg8[%get3A_686, %get3A_687] {strides = array<i32>} : memref<6x128xf32, #tpu.memory_space<vmem>>, vector<1x16xf32>,
    %get3A_689 = vector.shape_cast %get3A_688 : vector<1x16xf32> to vector<16xf32>
    %get3A_690 = arith.constant 704 : index
    %get3A_691 = tpu.vector_load %arg6[%get3A_690] {strides = array<i32>} : memref<768xf32, #tpu.memory_space<vmem>>, vector<16xf32>,
    %get3A_692 = vector.shape_cast %get3A_691 : vector<16xf32> to vector<16xf32>
    %mul3A_693 = arith.mulf %get3A_689, %get3A_692 : vector<16xf32>
    %add3A_694 = arith.addf %add3A_684, %mul3A_693 : vector<16xf32>
    %get3A_695 = arith.constant 5 : i32
    %get3A_696 = arith.index_cast %get3A_695 : i32 to index
    %get3A_697 = arith.constant 80 : index
    %get3A_698 = tpu.vector_load %arg8[%get3A_696, %get3A_697] {strides = array<i32>} : memref<6x128xf32, #tpu.memory_space<vmem>>, vector<1x16xf32>,
    %get3A_699 = vector.shape_cast %get3A_698 : vector<1x16xf32> to vector<16xf32>
    %get3A_700 = arith.constant 720 : index
    %get3A_701 = tpu.vector_load %arg6[%get3A_700] {strides = array<i32>} : memref<768xf32, #tpu.memory_space<vmem>>, vector<16xf32>,
    %get3A_702 = vector.shape_cast %get3A_701 : vector<16xf32> to vector<16xf32>
    %mul3A_703 = arith.mulf %get3A_699, %get3A_702 : vector<16xf32>
    %add3A_704 = arith.addf %add3A_694, %mul3A_703 : vector<16xf32>
    %get3A_705 = arith.constant 5 : i32
    %get3A_706 = arith.index_cast %get3A_705 : i32 to index
    %get3A_707 = arith.constant 96 : index
    %get3A_708 = tpu.vector_load %arg8[%get3A_706, %get3A_707] {strides = array<i32>} : memref<6x128xf32, #tpu.memory_space<vmem>>, vector<1x16xf32>,
    %get3A_709 = vector.shape_cast %get3A_708 : vector<1x16xf32> to vector<16xf32>
    %get3A_710 = arith.constant 736 : index
    %get3A_711 = tpu.vector_load %arg6[%get3A_710] {strides = array<i32>} : memref<768xf32, #tpu.memory_space<vmem>>, vector<16xf32>,
    %get3A_712 = vector.shape_cast %get3A_711 : vector<16xf32> to vector<16xf32>
    %mul3A_713 = arith.mulf %get3A_709, %get3A_712 : vector<16xf32>
    %add3A_714 = arith.addf %add3A_704, %mul3A_713 : vector<16xf32>
    %get3A_715 = arith.constant 5 : i32
    %get3A_716 = arith.index_cast %get3A_715 : i32 to index
    %get3A_717 = arith.constant 112 : index
    %get3A_718 = tpu.vector_load %arg8[%get3A_716, %get3A_717] {strides = array<i32>} : memref<6x128xf32, #tpu.memory_space<vmem>>, vector<1x16xf32>,
    %get3A_719 = vector.shape_cast %get3A_718 : vector<1x16xf32> to vector<16xf32>
    %get3A_720 = arith.constant 752 : index
    %get3A_721 = tpu.vector_load %arg6[%get3A_720] {strides = array<i32>} : memref<768xf32, #tpu.memory_space<vmem>>, vector<16xf32>,
    %get3A_722 = vector.shape_cast %get3A_721 : vector<16xf32> to vector<16xf32>
    %mul3A_723 = arith.mulf %get3A_719, %get3A_722 : vector<16xf32>
    %add3A_724 = arith.addf %add3A_714, %mul3A_723 : vector<16xf32>
    %iota3A = tpu.iota {dimensions = array<i32: 0>} : vector<16xi32>
    %xor3A = arith.constant 1 : i32
    %xor3A_725 = vector.broadcast %xor3A : i32 to vector<16xi32>
    %xor3A_726 = arith.xori %iota3A, %xor3A_725 : vector<16xi32>
    %lt3A = arith.constant 0 : i32
    %lt3A_727 = vector.broadcast %lt3A : i32 to vector<16xi32>
    %lt3A_728 = arith.cmpi slt, %xor3A_726, %lt3A_727 : vector<16xi32>
    %add3A_729 = arith.constant 16 : i32
    %add3A_730 = vector.broadcast %add3A_729 : i32 to vector<16xi32>
    %add3A_731 = arith.addi %xor3A_726, %add3A_730 : vector<16xi32>
    %select_n3A = arith.select %lt3A_728, %add3A_731, %xor3A_726 : vector<16xi1>, vector<16xi32>
    %broadcast_in_dim3A_732 = vector.shape_cast %select_n3A : vector<16xi32> to vector<16x1xi32>
    %gather3A = vector.shape_cast %broadcast_in_dim3A_732 : vector<16x1xi32> to vector<16xi32>
    %gather3A_733 = tpu.dynamic_gather %add3A_724[%gather3A] in [0] : vector<16xf32>, vector<16xi32> -> vector<16xf32>
    %add3A_734 = arith.addf %add3A_724, %gather3A_733 : vector<16xf32>
    %xor3A_735 = arith.constant 2 : i32
    %xor3A_736 = vector.broadcast %xor3A_735 : i32 to vector<16xi32>
    %xor3A_737 = arith.xori %iota3A, %xor3A_736 : vector<16xi32>
    %lt3A_738 = arith.constant 0 : i32
    %lt3A_739 = vector.broadcast %lt3A_738 : i32 to vector<16xi32>
    %lt3A_740 = arith.cmpi slt, %xor3A_737, %lt3A_739 : vector<16xi32>
    %add3A_741 = arith.constant 16 : i32
    %add3A_742 = vector.broadcast %add3A_741 : i32 to vector<16xi32>
    %add3A_743 = arith.addi %xor3A_737, %add3A_742 : vector<16xi32>
    %select_n3A_744 = arith.select %lt3A_740, %add3A_743, %xor3A_737 : vector<16xi1>, vector<16xi32>
    %broadcast_in_dim3A_745 = vector.shape_cast %select_n3A_744 : vector<16xi32> to vector<16x1xi32>
    %gather3A_746 = vector.shape_cast %broadcast_in_dim3A_745 : vector<16x1xi32> to vector<16xi32>
    %gather3A_747 = tpu.dynamic_gather %add3A_734[%gather3A_746] in [0] : vector<16xf32>, vector<16xi32> -> vector<16xf32>
    %add3A_748 = arith.addf %add3A_734, %gather3A_747 : vector<16xf32>
    %xor3A_749 = arith.constant 4 : i32
    %xor3A_750 = vector.broadcast %xor3A_749 : i32 to vector<16xi32>
    %xor3A_751 = arith.xori %iota3A, %xor3A_750 : vector<16xi32>
    %lt3A_752 = arith.constant 0 : i32
    %lt3A_753 = vector.broadcast %lt3A_752 : i32 to vector<16xi32>
    %lt3A_754 = arith.cmpi slt, %xor3A_751, %lt3A_753 : vector<16xi32>
    %add3A_755 = arith.constant 16 : i32
    %add3A_756 = vector.broadcast %add3A_755 : i32 to vector<16xi32>
    %add3A_757 = arith.addi %xor3A_751, %add3A_756 : vector<16xi32>
    %select_n3A_758 = arith.select %lt3A_754, %add3A_757, %xor3A_751 : vector<16xi1>, vector<16xi32>
    %broadcast_in_dim3A_759 = vector.shape_cast %select_n3A_758 : vector<16xi32> to vector<16x1xi32>
    %gather3A_760 = vector.shape_cast %broadcast_in_dim3A_759 : vector<16x1xi32> to vector<16xi32>
    %gather3A_761 = tpu.dynamic_gather %add3A_748[%gather3A_760] in [0] : vector<16xf32>, vector<16xi32> -> vector<16xf32>
    %add3A_762 = arith.addf %add3A_748, %gather3A_761 : vector<16xf32>
    %xor3A_763 = arith.constant 8 : i32
    %xor3A_764 = vector.broadcast %xor3A_763 : i32 to vector<16xi32>
    %xor3A_765 = arith.xori %iota3A, %xor3A_764 : vector<16xi32>
    %lt3A_766 = arith.constant 0 : i32
    %lt3A_767 = vector.broadcast %lt3A_766 : i32 to vector<16xi32>
    %lt3A_768 = arith.cmpi slt, %xor3A_765, %lt3A_767 : vector<16xi32>
    %add3A_769 = arith.constant 16 : i32
    %add3A_770 = vector.broadcast %add3A_769 : i32 to vector<16xi32>
    %add3A_771 = arith.addi %xor3A_765, %add3A_770 : vector<16xi32>
    %select_n3A_772 = arith.select %lt3A_768, %add3A_771, %xor3A_765 : vector<16xi1>, vector<16xi32>
    %broadcast_in_dim3A_773 = vector.shape_cast %select_n3A_772 : vector<16xi32> to vector<16x1xi32>
    %gather3A_774 = vector.shape_cast %broadcast_in_dim3A_773 : vector<16x1xi32> to vector<16xi32>
    %gather3A_775 = tpu.dynamic_gather %add3A_762[%gather3A_774] in [0] : vector<16xf32>, vector<16xi32> -> vector<16xf32>
    %add3A_776 = arith.addf %add3A_762, %gather3A_775 : vector<16xf32>
    %swap3A = arith.constant 0 : i32
    %swap3A_777 = arith.index_cast %swap3A : i32 to index
    %swap3A_778 = arith.constant 0 : index
    %swap3A_779 = tpu.vector_load %arg9[%swap3A_777, %swap3A_778] {strides = array<i32>} : memref<1x16xf32, #tpu.memory_space<vmem>>, vector<1x16xf32>,
    %swap3A_780 = vector.shape_cast %swap3A_779 : vector<1x16xf32> to vector<16xf32>
    %swap3A_781 = vector.shape_cast %add3A_776 : vector<16xf32> to vector<1x16xf32>
    tpu.vector_store %arg9[%swap3A_777, %swap3A_778], %swap3A_781 {strides = array<i32>} : memref<1x16xf32, #tpu.memory_space<vmem>>, vector<1x16xf32>,
    "tpu.region"() ({
      %run_scoped3A = tpu.sem_alloc : memref<!tpu.dma_semaphore, #tpu.memory_space<semaphore_mem>>
      %dma_start3A_782 = arith.constant 0 : i32
      %dma_start3A_783 = tpu.memref_slice %arg5[%add3A, %dma_start3A_782] : memref<32x16xf32, #tpu.memory_space<hbm>> -> memref<1x16xf32, #tpu.memory_space<hbm>>
      %dma_start3A_784 = arith.constant 0 : i32
      %dma_start3A_785 = tpu.memref_slice %arg5[%add3A, %dma_start3A_784] : memref<32x16xf32, #tpu.memory_space<hbm>> -> memref<1x16xf32, #tpu.memory_space<hbm>>
      tpu.enqueue_dma source(%arg9 : memref<1x16xf32, #tpu.memory_space<vmem>>) target(%dma_start3A_785 : memref<1x16xf32, #tpu.memory_space<hbm>>) target_semaphore(%run_scoped3A : memref<!tpu.dma_semaphore, #tpu.memory_space<semaphore_mem>>)
      %dma_wait3A_786 = arith.constant 0 : i32
      %dma_wait3A_787 = tpu.memref_slice %arg5[%add3A, %dma_wait3A_786] : memref<32x16xf32, #tpu.memory_space<hbm>> -> memref<1x16xf32, #tpu.memory_space<hbm>>
      %dma_wait3A_788 = arith.constant 0 : i32
      %dma_wait3A_789 = tpu.memref_slice %arg5[%add3A, %dma_wait3A_788] : memref<32x16xf32, #tpu.memory_space<hbm>> -> memref<1x16xf32, #tpu.memory_space<hbm>>
      tpu.wait_dma2 semaphore(%run_scoped3A : memref<!tpu.dma_semaphore, #tpu.memory_space<semaphore_mem>>) src(%arg9 : memref<1x16xf32, #tpu.memory_space<vmem>>) dst(%dma_wait3A_789 : memref<1x16xf32, #tpu.memory_space<hbm>>)
      tpu.yield
    }) : () -> ()
    return
  }
}

</mosaic_0001>

<sc_bundles>
// kernel: kernel.3.cloned.1.call-start
scs
__scs_entry_jumppad:
0x0: {  	(pc) =	sbr.rel $0x88, $3  }
0x1: {  	(tag) =	ssettag $0x0;
	lr =	simm.s32 $0x1  }
0x2: {  	[smem:$0x3F9E] =	sst lr;
	_ =	strace $0xD0000000  }
0x3: {  	_ = 	snop  }
0x4: {  	_ = 	snop  }
0x5: {  	_ = 	snop  }
0x6: {  	_ = 	snop  }
0x7: {  	_ = 	snop  }
__scs_overlays_trampoline_lowered:
0x8: {  	[smem:$0x3FAD] =	sst s0  }
0x9: {  	[smem:$0x3FAE] =	sst s1  }
0xa: {  	[smem:$0x3FAF] =	sst s2  }
0xb: {  	[smem:$0x3FB0] =	sst s3  }
0xc: {  	[smem:$0x3FB1] =	sst s4  }
0xd: {  	[smem:$0x3FB2] =	sst s5  }
0xe: {  	[smem:$0x3FB3] =	sst s6  }
0xf: {  	[smem:$0x3FB4] =	sst s7  }
0x10: {  	[smem:$0x3FB5] =	sst s8  }
0x11: {  	[smem:$0x3FB6] =	sst s9;
	s0 =	simm.s32 @!p0 $0x0  }
0x12: {  	s1 =	sld [smem:$0x3F9C];
	s0 =	simm.s32 @p0 $0x1  }
0x13: {  	[smem:$0x3FB7] =	sst s0;
	s0 =	simm.s32 @!p1 $0x0  }
0x14: {  	s2 =	sld [smem:$0x3F9B];
	s0 =	simm.s32 @p1 $0x1  }
0x15: {  	[smem:$0x3FB8] =	sst s0;
	s0 =	simm.s32 @!p2 $0x0  }
0x16: {  	s3 =	sld [smem:$0x3FDB];
	s0 =	simm.s32 @p2 $0x1  }
0x17: {  	s4 =	simm.s32 $0x1BF5;
	[smem:$0x3FBA] =	sst s0  }
0x18: {  	s0 =	sld [smem:$0x3F9D];
	_ =	swait.ge [sflag:s4], $0x0  }
0x19: {  	s7 =	sld [smem:$0x3F9E]  }
0x1a: {  	s8 =	sadd.s32 $0xFFFFE003, lr  }
0x1b: {  	s9 =	sadd.s32 $0xFFFFFEF7, lr;
	s5 =	simm.s32 $0xFFFFFFFF;
	p2 =	slt.u32 s8, $0xFFFFF086  }
0x1c: {  	p1 =	slt.u32 s9, $0xF7A;
	s5 =	simm.s32 @!p2 $0x0  }
0x1d: {  	s5 =	simm.s32 @p1 $0x1;
	p0 =	seq.s32 s7, s2  }
0x1e: {  	s7 =	smul.u32 @!p0 $0xF7A, s2;
	p2 =	seq.s32 @!p0 s5, $0x0  }
0x1f: {  	s9 =	smul.u32 $0xF7A, s1;
	s8 =	simm.s32 @!p0 $0x1BF5;
	p2 =	por !p2, p0  }
0x20: {  	[sflag:s8] =	ssyncset.s32 @!p0 $0xFFFFF086;
	s6 =	sadd.s32 @!p0 s3, s7;
	s7 =	simm.s32 @!p0 $0x108  }
0x21: {  	s3 =	sadd.s32 s3, s9;
	s6 =	sadd.s32 @!p0 $0x88, s6;
	s7 =	simm.s32 @p2 $0x1082  }
0x22: {  	[simem:s7], [sflag:s8] =	dma.local @!p0 [hbm:s6], $0xF7A  }
0x23: {  	s9 =	sor.u32 $0xD0000000, s2;
	s6 =	simm.s32 $0x108;
	_ =	swait.ge @!p0 [sflag:s8], $0x0  }
0x24: {  	s3 =	sadd.s32 $0x88, s3;
	s6 =	simm.s32 @!p1 $0x1082;
	[sflag:s4] =	ssyncset.s32 $0xFFFFF086  }
0x25: {  	[simem:s6], [sflag:s4] =	dma.local [hbm:s3], $0xF7A  }
0x26: {  	[smem:$0x3F9E] =	sst s1;
	(tag) =	ssettag s2;
	_ =	strace s9  }
0x27: {  	s1 =	sld [smem:$0x3FAE]  }
0x28: {  	s2 =	sld [smem:$0x3FAF]  }
0x29: {  	s4 =	sld [smem:$0x3FB1]  }
0x2a: {  	p0 =	seq.s32 s5, $0x0;
	s5 =	sld [smem:$0x3FB2]  }
0x2b: {  	s6 =	sld [smem:$0x3FB3]  }
0x2c: {  	s7 =	sld [smem:$0x3FB4]  }
0x2d: {  	s3 =	simm.s32 $0x108;
	s8 =	sld [smem:$0x3FB5]  }
0x2e: {  	s3 =	simm.s32 @!p0 $0x1082;
	s9 =	sld [smem:$0x3FB6]  }
0x2f: {  	lr =	sadd.s32 s0, s3;
	s0 =	sld [smem:$0x3FAD]  }
0x30: {  	s3 =	sld [smem:$0x3FB0]  }
0x31: {  	[smem:$0x3FB9] =	sst s10  }
0x32: {  	s10 =	sld [smem:$0x3FB7];
	_ =	sdelay $0x3  }
0x33: {  	p0 =	seq.s32 s10, $0x1;
	s10 =	sld [smem:$0x3FB9];
	_ =	sdelay $0x3  }
0x34: {  	[smem:$0x3FB9] =	sst s10  }
0x35: {  	s10 =	sld [smem:$0x3FB8];
	_ =	sdelay $0x3  }
0x36: {  	p1 =	seq.s32 s10, $0x1;
	s10 =	sld [smem:$0x3FB9];
	_ =	sdelay $0x3  }
0x37: {  	[smem:$0x3FB9] =	sst s10  }
0x38: {  	s10 =	sld [smem:$0x3FBA]  }
0x39: {  	_ = 	snop;
	(pc) =	sbr.ind lr, $3  }
0x3a: {  	_ = 	snop  }
0x3b: {  	_ = 	snop  }
0x3c: {  	p2 =	seq.s32 s10, $0x1;
	s10 =	sld [smem:$0x3FB9]  }
0x3d: {  	_ =	shalt  }
0x3e: {  	_ =	shalt  }
0x3f: {  	_ =	shalt  }
0x40: {  	_ =	shalt  }
0x41: {  	_ =	shalt  }
0x42: {  	_ =	shalt  }
0x43: {  	_ =	shalt  }
0x44: {  	_ =	shalt  }
0x45: {  	_ =	shalt  }
0x46: {  	_ =	shalt  }
0x47: {  	_ =	shalt  }
0x48: {  	_ =	shalt  }
0x49: {  	_ =	shalt  }
0x4a: {  	_ =	shalt  }
0x4b: {  	_ =	shalt  }
0x4c: {  	_ =	shalt  }
0x4d: {  	_ =	shalt  }
0x4e: {  	_ =	shalt  }
0x4f: {  	_ =	shalt  }
0x50: {  	_ =	shalt  }
0x51: {  	_ =	shalt  }
0x52: {  	_ =	shalt  }
0x53: {  	_ =	shalt  }
0x54: {  	_ =	shalt  }
0x55: {  	_ =	shalt  }
0x56: {  	_ =	shalt  }
0x57: {  	_ =	shalt  }
0x58: {  	_ =	shalt  }
0x59: {  	_ =	shalt  }
0x5a: {  	_ =	shalt  }
0x5b: {  	_ =	shalt  }
0x5c: {  	_ =	shalt  }
0x5d: {  	_ =	shalt  }
0x5e: {  	_ =	shalt  }
0x5f: {  	_ =	shalt  }
0x60: {  	_ =	shalt  }
0x61: {  	_ =	shalt  }
0x62: {  	_ =	shalt  }
0x63: {  	_ =	shalt  }
0x64: {  	_ =	shalt  }
0x65: {  	_ =	shalt  }
0x66: {  	_ =	shalt  }
0x67: {  	_ =	shalt  }
0x68: {  	_ =	shalt  }
0x69: {  	_ =	shalt  }
0x6a: {  	_ =	shalt  }
0x6b: {  	_ =	shalt  }
0x6c: {  	_ =	shalt  }
0x6d: {  	_ =	shalt  }
0x6e: {  	_ =	shalt  }
0x6f: {  	_ =	shalt  }
0x70: {  	_ =	shalt  }
0x71: {  	_ =	shalt  }
0x72: {  	_ =	shalt  }
0x73: {  	_ =	shalt  }
0x74: {  	_ =	shalt  }
0x75: {  	_ =	shalt  }
0x76: {  	_ =	shalt  }
0x77: {  	_ =	shalt  }
0x78: {  	_ =	shalt  }
0x79: {  	_ =	shalt  }
0x7a: {  	_ =	shalt  }
0x7b: {  	_ =	shalt  }
0x7c: {  	_ =	shalt  }
0x7d: {  	_ =	shalt  }
0x7e: {  	_ =	shalt  }
0x7f: {  	_ =	shalt  }
0x80: {  	_ =	shalt  }
0x81: {  	_ =	shalt  }
0x82: {  	_ =	shalt  }
0x83: {  	_ =	shalt  }
0x84: {  	_ =	shalt  }
0x85: {  	_ =	shalt  }
0x86: {  	_ =	shalt  }
0x87: {  	_ =	shalt  }
.Lfunc_end0:
.L_simem_size_0:
called_computation_lowered:
.L_overlay_start_0:
0x88: {  	s2 =	sld [smem:$0x3FD9]  }
0x89: {  	s3 =	sld [smem:$0x3FFE];
	_ =	sdelay $0x1  }
0x8a: {  	s1 =	srdreg.scid  }
0x8b: {  	s0 =	sand.u32 $0x1, s1  }
0x8c: {  	s17 =	sshll.u32 s0, $0xA;
	s2 =	sadd.s32 s3, s2  }
0x8d: {  	s2 =	sadd.s32 s2, s17  }
0x8e: {  	[smem:$0x3FC5] =	sst s2  }
0x8f: {  	_ = 	snop  }
0x90: {  	s2 =	sld [smem:$0x3FC9]  }
0x91: {  	s18 =	sld [smem:$0x3FC8];
	(tm) =	ssettm $0x1  }
0x92: {  	s4 =	sld [smem:$0x3FFB];
	_ =	sdelay $0x3  }
0x93: {  	_ =	strace s4  }
0x94: {  	s4 =	sld [smem:$0x3FFC];
	_ =	sdelay $0x3  }
0x95: {  	_ =	strace s4  }
0x96: {  	s4 =	sld [smem:$0x3FFD];
	_ =	sdelay $0x3  }
0x97: {  	_ =	strace s4  }
0x98: {  	_ =	strace $0x8FFFFFFF  }
0x99: {  	s19 =	sld [smem:$0x3FDB];
	_ =	sdelay $0x1  }
0x9a: {  	s5 =	simm.s32 $_scs_section_size  }
0x9b: {  	s6 =	simm.s32 $_size__tile_overlayer_lowered;
	s7 =	simm.s32 $_tile_overlayer_lowered  }
0x9c: {  	s22 =	simm.s32 $0x1BFF;
	s21 =	sshll.u32 s7, $0x1;
	s4 =	sadd.s32 s5, s19  }
0x9d: {  	s8 =	simm.s32 $0x0;
	s20 =	sshll.u32 s6, $0x1;
	s6 =	sadd.s32 s21, s4  }
0x9e: {  	[timem:s8], [sflag:s22] =	dma.local [hbm:s6], s20  }
0x9f: {  	_ =	swait.ge [sflag:s22], s20  }
0xa0: {  	s5 =	ssub.s32 $0x0, s20;
	[sflag:s22] =	ssyncset.done $0x0  }
0xa1: {  	[sflag:s22] =	ssyncadd.s32 s5;
	_ =	sdelay $0x1  }
0xa2: {  	s23 =	simm.s32 $0x1B8B  }
0xa3: {  	_ =	swait.ge [sflag:s23], $0x1  }
0xa4: {  	[sflag:s23] =	ssyncset.done $0x0  }
0xa5: {  	s25 =	simm.s32 $0x1B8E;
	s24 =	sld [smem:$0x3FFE];
	[sflag:s23] =	ssyncadd.s32 $0xFFFFFFFF  }
0xa6: {  	s26 =	simm.s32 $execute0_lowered;
	[smem:$0x3FD2] =	sst s25  }
0xa7: {  	s6 =	sshll.u32 s26, $0x1;
	_ =	strace $0x80000046;
	[dreg:$0x1] =	wrdreg $0xFFFFFFFF  }
0xa8: {  	s28 =	simm.s32 $_size_execute0_lowered;
	s4 =	sadd.s32 s4, s6;
	[dreg:$0x0] =	wrdreg $0x0  }
0xa9: {  	s6 =	sshll.u32 s28, $0x1;
	[dreg:$0x2] =	wrdreg s4  }
0xaa: {  	[dreg:$0x3] =	wrdreg s6  }
0xab: {  	[dreg:$0x4] =	wrdreg $0xC0  }
0xac: {  	_ =	task [dreg:s8], $0x5FFFF  }
0xad: {  	[dreg:$0x1] =	wrdreg $0xFFFFFFFF  }
0xae: {  	[dreg:$0x0] =	wrdreg $0x60  }
0xaf: {  	[dreg:$0x2] =	wrdreg s2  }
0xb0: {  	[dreg:$0x3] =	wrdreg s18  }
0xb1: {  	[dreg:$0x4] =	wrdreg s24  }
0xb2: {  	[dreg:$0x5] =	wrdreg $0x9  }
0xb3: {  	_ =	task.clear_ibuf [dreg:s8], $0x6FFFF;
	_ =	strace $0x90000046  }
0xb4: {  	s29 =	simm.s32 $0x9;
	_ =	strace $0x80000048  }
0xb5: {  	_ =	swait.ge [sflag:s29], $0x1  }
0xb6: {  	[sflag:s29] =	ssyncadd.s32 $0xFFFFFFFF  }
0xb7: {  	_ =	strace $0x90000048  }
0xb8: {  	_ =	sfence  }
0xb9: {  	s30 =	sld [smem:$0x0];
	_ =	sdelay $0x2  }
0xba: {  	s31 =	sshll.u32 s1, $0xD;
	s1 =	sshrl.u32 s1, $0x2  }
0xbb: {  	s3 =	sand.u32 $0x4000, s31;
	s1 =	sadd.s32 s1, s30  }
0xbc: {  	s0 =	sor.u32 s3, s0;
	s1 =	sshll.u32 s1, $0x11  }
0xbd: {  	s0 =	sor.u32 s1, s0  }
0xbe: {  	s0 =	sadd.s32 $0x8F2B, s0  }
0xbf: {  	[sflag:s0] =	ssyncadd.remote.s32 $0x1  }
0xc0: {  	_ =	sfence.sel $0xFFFF  }
0xc1: {  	[dreg:$0x0] =	wrdreg $0xFFFFFFFF;
	(pc) =	sbr.abs _section_cstart, $3  }
0xc2: {  	[dreg:$0x1] =	wrdreg $0xFFFFFFFF  }
0xc3: {  	_ =	task.clear_ibuf [dreg:s8], $0x2FFFF;
	_ =	strace $0x9FFFFFFF  }
0xc4: {  	(tm) =	ssettm $0x7FFFFFFF  }
0xc5: {  	_ =	shalt  }
tec
execute0_lowered:
.L_overlay_start_1:
0x0: {  	(tag) =	ssettag $0x1  }
0x1: {  	s0 =	srdreg.scid;
	s1 =	rddreg [dreg:$0x0]  }
0x2: {  	s18 =	stileid.u32;
	s5 =	rddreg [dreg:$0x1]  }
0x3: {  	s7 =	rddreg [dreg:$0x2];
	s11 =	simm.s32 $0x580;
	s12 =	simm.s32 $0x2  }
0x4: {  	s13 =	simm.s32 $0x80;
	s25 =	simm.s32 $0x700;
	s14 =	simm.s32 $0x3  }
0x5: {  	s26 =	simm.s32 $0x780;
	s15 =	simm.s32 $0x4;
	s17 =	simm.s32 $0x5  }
0x6: {  	s28 =	simm.s32 $0xB;
	s29 =	simm.s32 $0xC;
	s30 =	simm.s32 $0xD  }
0x7: {  	s31 =	simm.s32 $0xB00;
	s2 =	sand.u32 $0x1, s0;
	s8 =	sshll.u32 s18, $0x4  }
0x8: {  	s3 =	sshll.u32 s2, $0x4;
	s8 =	sand.u32 $0x70, s8;
	s2 =	ssub.s32 $0x2, s2  }
0x9: {  	s6 =	sor.u32 s18, s3;
	s3 =	simm.s32 $0x0;
	s10 =	sshrl.u32 s2, $0x1  }
0xa: {  	s18 =	simm.s32 $0x880;
	s4 =	smul.u32 $0x300, s6;
	[smem:$0x7FF] =	sst s3  }
0xb: {  	s6 =	sshll.u32 s6, $0x4;
	s2 =	ssub.s32 s2, s10;
	s10 =	simm.s32 $0x500  }
0xc: {  	_ =	strace $0x80000047;
	s6 =	sand.u32 $0x180, s6;
	[dreg:$0xb] =	wrdreg s25  }
0xd: {  	v0 =	vimm.s32 $0xEFCDAB89;
	[dreg:$0xc] =	wrdreg s26;
	s25 =	simm.s32 $0x9;
	s9 =	sshrl.u32 s4, $0x3  }
0xe: {  	v1 =	vimm.s32 $0x67452301;
	v2 =	vimm.s32 $0xDCFE98BA;
	s26 =	simm.s32 $0xA;
	s4 =	sadd.s32 s7, s9;
	s5 =	sadd.s32 s5, s9  }
0xf: {  	v3 =	vimm.s32 $0x54761032;
	v4 =	vimm.s32 $0xBA98FEDC;
	v5 =	vimm.s32 $0xFEDCBA98;
	s7 =	sadd.s32 s8, s7;
	s19 =	sadd.s32 $0x10, s4;
	[dreg:$0x9] =	wrdreg s5  }
0x10: {  	v6 =	vimm.s32 $0x32107654;
	v7 =	vimm.s32 $0x76543210;
	v0 =	vunpack.c.l.s4.s8 v0;
	s8 =	simm.s32 $0x400;
	s20 =	sadd.s32 $0x20, s4;
	[dreg:$0x4] =	wrdreg s19  }
0x11: {  	v1 =	vunpack.c.l.s4.s8 v1;
	v2 =	vunpack.c.l.s4.s8 v2;
	v3 =	vunpack.c.l.s4.s8 v3;
	s9 =	simm.s32 $0x480;
	s21 =	sadd.s32 $0x30, s4;
	[dreg:$0x5] =	wrdreg s20  }
0x12: {  	v5 =	vunpack.c.l.s4.s8 v5;
	v4 =	vunpack.c.l.s4.s8 v4;
	v6 =	vunpack.c.l.s4.s8 v6;
	s22 =	sadd.s32 $0x40, s4;
	s23 =	sadd.s32 $0x50, s4;
	[dreg:$0x6] =	wrdreg s21  }
0x13: {  	v7 =	vunpack.c.l.s4.s8 v7;
	v0 =	vunpack.c.0.s8.s32 v0;
	v1 =	vunpack.c.0.s8.s32 v1;
	s6 =	sadd.s32 s6, s7;
	s5 =	smax.u32 s2, $0x1;
	[dreg:$0x7] =	wrdreg s22  }
0x14: {  	v2 =	vunpack.c.0.s8.s32 v2;
	v3 =	vunpack.c.0.s8.s32 v3;
	v5 =	vunpack.c.0.s8.s32 v5;
	s7 =	simm.s32 $0x380;
	s2 =	simm.s32 $0xE;
	[dreg:$0x8] =	wrdreg s23  }
0x15: {  	v4 =	vunpack.c.0.s8.s32 v4;
	v6 =	vunpack.c.0.s8.s32 v6;
	v7 =	vunpack.c.0.s8.s32 v7;
	s24 =	sadd.s32 $0xC00, s6;
	s6 =	simm.s32 $0x300;
	s19 =	simm.s32 $0x6  }
0x16: {  	v0 =	vcombine.low v1, v0;
	v1 =	vcombine.low v3, v2;
	v3 =	vand.u32 $0xF, v5;
	s20 =	simm.s32 $0x900;
	s21 =	simm.s32 $0x7;
	s22 =	simm.s32 $0x980  }
0x17: {  	v2 =	vcombine.low v6, v4;
	v3 =	vcombine.low v3, v7;
	s23 =	simm.s32 $0x1;
	[dreg:$0xa] =	wrdreg s24;
	s24 =	simm.s32 $0x8  }
.LBB2_1:
0x18: {  	[tilespmem:s6], [sflag:$0x2] =	stream.linear.gather [hbm4b:s4+s3], $0x80, $0x38;
	[tilespmem:$0xB80] =	vst v63  }
0x19: {  	s0 =	rddreg [dreg:$0x4]  }
0x1a: {  	[tilespmem:s7], [sflag:$0x3] =	stream.linear.gather [hbm4b:s0+s3], $0x80, $0x38;
	[tilespmem:$0xB80] =	vst v63  }
0x1b: {  	s16 =	rddreg [dreg:$0x5]  }
0x1c: {  	[tilespmem:s8], [sflag:$0x4] =	stream.linear.gather [hbm4b:s16+s3], $0x80, $0x38;
	[tilespmem:$0xB80] =	vst v63  }
0x1d: {  	s0 =	rddreg [dreg:$0x6]  }
0x1e: {  	[tilespmem:s9], [sflag:$0x5] =	stream.linear.gather [hbm4b:s0+s3], $0x80, $0x38;
	[tilespmem:$0xB80] =	vst v63  }
0x1f: {  	s16 =	rddreg [dreg:$0x7]  }
0x20: {  	[tilespmem:s10], [sflag:$0x6] =	stream.linear.gather [hbm4b:s16+s3], $0x80, $0x38;
	[tilespmem:$0xB80] =	vst v63  }
0x21: {  	s0 =	rddreg [dreg:$0x8]  }
0x22: {  	[tilespmem:s11], [sflag:$0x7] =	stream.linear.gather [hbm4b:s0+s3], $0x80, $0x38;
	[tilespmem:$0xB80] =	vst v63  }
0x23: {  	s16 =	rddreg [dreg:$0x9]  }
0x24: {  	[tilespmem:s3], [sflag:$0x1] =	stream.linear.gather [hbm4b:s16+s3], $0x300, $0x38;
	[tilespmem:$0xB80] =	vst v63  }
0x25: {  	_ =	swait.ge [sflag:s12], $0x80  }
0x26: {  	[sflag:s12] =	ssyncset.done $0x0  }
0x27: {  	s16 =	rddreg [dreg:$0xb];
	[sflag:s12] =	ssyncadd.s32 $0xFFFFFF80  }
0x28: {  	[tilespmem:s16], [sflag:$0x8] =	stream.indirect.gather [hbm4b:s1+s13], $0x1, s6, s13, $0xb8;
	[tilespmem:$0xB80] =	vst v63  }
0x29: {  	_ =	swait.ge [sflag:s14], $0x80  }
0x2a: {  	[sflag:s14] =	ssyncset.done $0x0  }
0x2b: {  	s16 =	rddreg [dreg:$0xc];
	[sflag:s14] =	ssyncadd.s32 $0xFFFFFF80  }
0x2c: {  	[tilespmem:s16], [sflag:$0x9] =	stream.indirect.gather [hbm4b:s1+s13], $0x1, s7, s13, $0xb8;
	[tilespmem:$0xB80] =	vst v63  }
0x2d: {  	_ =	swait.ge [sflag:s15], $0x80  }
0x2e: {  	[sflag:s15] =	ssyncset.done $0x0  }
0x2f: {  	s16 =	simm.s32 $0x800;
	[sflag:s15] =	ssyncadd.s32 $0xFFFFFF80  }
0x30: {  	[tilespmem:s16], [sflag:$0xA] =	stream.indirect.gather [hbm4b:s1+s13], $0x1, s8, s13, $0xb8;
	[tilespmem:$0xB80] =	vst v63  }
0x31: {  	_ =	swait.ge [sflag:s17], $0x80  }
0x32: {  	[sflag:s17] =	ssyncset.done $0x0  }
0x33: {  	[sflag:s17] =	ssyncadd.s32 $0xFFFFFF80  }
0x34: {  	[tilespmem:s18], [sflag:$0xB] =	stream.indirect.gather [hbm4b:s1+s13], $0x1, s9, s13, $0xb8;
	[tilespmem:$0xB80] =	vst v63  }
0x35: {  	_ =	swait.ge [sflag:s19], $0x80  }
0x36: {  	[sflag:s19] =	ssyncset.done $0x0  }
0x37: {  	[sflag:s19] =	ssyncadd.s32 $0xFFFFFF80  }
0x38: {  	[tilespmem:s20], [sflag:$0xC] =	stream.indirect.gather [hbm4b:s1+s13], $0x1, s10, s13, $0xb8;
	[tilespmem:$0xB80] =	vst v63  }
0x39: {  	_ =	swait.ge [sflag:s21], $0x80  }
0x3a: {  	[sflag:s21] =	ssyncset.done $0x0  }
0x3b: {  	[sflag:s21] =	ssyncadd.s32 $0xFFFFFF80  }
0x3c: {  	[tilespmem:s22], [sflag:$0xD] =	stream.indirect.gather [hbm4b:s1+s13], $0x1, s11, s13, $0xb8;
	[tilespmem:$0xB80] =	vst v63  }
0x3d: {  	_ =	swait.ge [sflag:s23], $0x300  }
0x3e: {  	[sflag:s23] =	ssyncset.done $0x0  }
0x3f: {  	[sflag:s23] =	ssyncadd.s32 $0xFFFFFD00  }
0x40: {  	_ =	swait.ge [sflag:s24], $0x80  }
0x41: {  	[sflag:s24] =	ssyncset.done $0x0  }
0x42: {  	[sflag:s24] =	ssyncadd.s32 $0xFFFFFF80  }
0x43: {  	v4 =	vld [tilespmem:$0x700]  }
0x44: {  	v5 =	vld [tilespmem:$0x0]  }
0x45: {  	v6 =	vld [tilespmem:$0x710]  }
0x46: {  	v7 =	vld [tilespmem:$0x10]  }
0x47: {  	v8 =	vld [tilespmem:$0x720]  }
0x48: {  	v9 =	vld [tilespmem:$0x20]  }
0x49: {  	v10 =	vld [tilespmem:$0x730]  }
0x4a: {  	v11 =	vld [tilespmem:$0x30]  }
0x4b: {  	v12 =	vld [tilespmem:$0x740]  }
0x4c: {  	v13 =	vld [tilespmem:$0x40]  }
0x4d: {  	v14 =	vld [tilespmem:$0x750]  }
0x4e: {  	v15 =	vld [tilespmem:$0x50]  }
0x4f: {  	v16 =	vld [tilespmem:$0x760]  }
0x50: {  	v17 =	vld [tilespmem:$0x60]  }
0x51: {  	v18 =	vld [tilespmem:$0x770]  }
0x52: {  	v19 =	vld [tilespmem:$0x70];
	_ =	swait.ge [sflag:s25], $0x80  }
0x53: {  	[sflag:s25] =	ssyncset.done $0x0;
	v4 =	vmul.f32 v5, v4  }
0x54: {  	[sflag:s25] =	ssyncadd.s32 $0xFFFFFF80  }
0x55: {  	v20 =	vld [tilespmem:$0x780];
	v6 =	vmul.f32 v7, v6;
	v4 =	vadd.f32 $0.0e+00, v4  }
0x56: {  	v21 =	vld [tilespmem:$0x80]  }
0x57: {  	v22 =	vld [tilespmem:$0x90];
	v27 =	vmul.f32 v9, v8;
	v4 =	vadd.f32 v6, v4  }
0x58: {  	v26 =	vld [tilespmem:$0x7A0]  }
0x59: {  	v23 =	vld [tilespmem:$0xA0];
	v30 =	vmul.f32 v11, v10;
	v4 =	vadd.f32 v27, v4  }
0x5a: {  	v28 =	vld [tilespmem:$0x7B0]  }
0x5b: {  	v29 =	vld [tilespmem:$0xB0];
	v33 =	vmul.f32 v13, v12;
	v4 =	vadd.f32 v30, v4  }
0x5c: {  	v31 =	vld [tilespmem:$0x7C0]  }
0x5d: {  	v32 =	vld [tilespmem:$0xC0];
	v36 =	vmul.f32 v15, v14;
	v4 =	vadd.f32 v33, v4  }
0x5e: {  	v34 =	vld [tilespmem:$0x7D0]  }
0x5f: {  	v35 =	vld [tilespmem:$0xD0];
	v39 =	vmul.f32 v17, v16;
	v4 =	vadd.f32 v36, v4  }
0x60: {  	v5 =	vld [tilespmem:$0x790]  }
0x61: {  	v37 =	vld [tilespmem:$0x7E0];
	v42 =	vmul.f32 v19, v18;
	v4 =	vadd.f32 v39, v4  }
0x62: {  	v38 =	vld [tilespmem:$0xE0]  }
0x63: {  	v40 =	vld [tilespmem:$0x7F0];
	v43 =	vmul.f32 v21, v20;
	v4 =	vadd.f32 v42, v4  }
0x64: {  	v41 =	vld [tilespmem:$0xF0];
	_ =	swait.ge [sflag:s26], $0x80  }
0x65: {  	[sflag:s26] =	ssyncset.done $0x0;
	v5 =	vmul.f32 v22, v5;
	v4 =	vadd.f32 v43, v4  }
0x66: {  	[sflag:s26] =	ssyncadd.s32 $0xFFFFFF80  }
0x67: {  	v44 =	vld [tilespmem:$0x800];
	v4 =	vadd.f32 v5, v4;
	v5 =	vmul.f32 v23, v26  }
0x68: {  	v45 =	vld [tilespmem:$0x100]  }
0x69: {  	v46 =	vld [tilespmem:$0x810];
	v4 =	vadd.f32 v5, v4;
	v5 =	vmul.f32 v29, v28  }
0x6a: {  	v47 =	vld [tilespmem:$0x110]  }
0x6b: {  	v48 =	vld [tilespmem:$0x820];
	v4 =	vadd.f32 v5, v4;
	v5 =	vmul.f32 v32, v31  }
0x6c: {  	v49 =	vld [tilespmem:$0x120]  }
0x6d: {  	v50 =	vld [tilespmem:$0x830];
	v4 =	vadd.f32 v5, v4;
	v5 =	vmul.f32 v35, v34  }
0x6e: {  	v51 =	vld [tilespmem:$0x130]  }
0x6f: {  	v52 =	vld [tilespmem:$0x840];
	v4 =	vadd.f32 v5, v4;
	v5 =	vmul.f32 v38, v37  }
0x70: {  	v53 =	vld [tilespmem:$0x140]  }
0x71: {  	v54 =	vld [tilespmem:$0x850];
	v4 =	vadd.f32 v5, v4;
	v5 =	vmul.f32 v41, v40  }
0x72: {  	v55 =	vld [tilespmem:$0x150]  }
0x73: {  	v56 =	vld [tilespmem:$0x860];
	v4 =	vadd.f32 v5, v4;
	v5 =	vmul.f32 v45, v44  }
0x74: {  	v57 =	vld [tilespmem:$0x160]  }
0x75: {  	v58 =	vld [tilespmem:$0x870];
	v4 =	vadd.f32 v5, v4;
	v5 =	vmul.f32 v47, v46  }
0x76: {  	v59 =	vld [tilespmem:$0x170];
	_ =	swait.ge [sflag:s28], $0x80  }
0x77: {  	[sflag:s28] =	ssyncset.done $0x0;
	v4 =	vadd.f32 v5, v4;
	v5 =	vmul.f32 v49, v48  }
0x78: {  	[sflag:s28] =	ssyncadd.s32 $0xFFFFFF80  }
0x79: {  	v60 =	vld [tilespmem:$0x880];
	v4 =	vadd.f32 v5, v4;
	v5 =	vmul.f32 v51, v50  }
0x7a: {  	v61 =	vld [tilespmem:$0x180]  }
0x7b: {  	v62 =	vld [tilespmem:$0x890];
	v4 =	vadd.f32 v5, v4;
	v5 =	vmul.f32 v53, v52  }
0x7c: {  	v63 =	vld [tilespmem:$0x190]  }
0x7d: {  	v20 =	vld [tilespmem:$0x8A0];
	v4 =	vadd.f32 v5, v4;
	v5 =	vmul.f32 v55, v54  }
0x7e: {  	v21 =	vld [tilespmem:$0x1A0]  }
0x7f: {  	v22 =	vld [tilespmem:$0x8B0];
	v4 =	vadd.f32 v5, v4;
	v5 =	vmul.f32 v57, v56  }
0x80: {  	v24 =	vld [tilespmem:$0x8C0]  }
0x81: {  	v25 =	vld [tilespmem:$0x1C0];
	v4 =	vadd.f32 v5, v4;
	v5 =	vmul.f32 v59, v58  }
0x82: {  	v27 =	vld [tilespmem:$0x1D0]  }
0x83: {  	v30 =	vld [tilespmem:$0x8F0];
	v4 =	vadd.f32 v5, v4;
	v5 =	vmul.f32 v61, v60  }
0x84: {  	v23 =	vld [tilespmem:$0x1B0]  }
0x85: {  	v26 =	vld [tilespmem:$0x8D0];
	v4 =	vadd.f32 v5, v4;
	v5 =	vmul.f32 v63, v62  }
0x86: {  	v28 =	vld [tilespmem:$0x8E0]  }
0x87: {  	v29 =	vld [tilespmem:$0x1E0];
	v4 =	vadd.f32 v5, v4;
	v5 =	vmul.f32 v21, v20  }
0x88: {  	v31 =	vld [tilespmem:$0x1F0];
	_ =	swait.ge [sflag:s29], $0x80  }
0x89: {  	[sflag:s29] =	ssyncset.done $0x0;
	v4 =	vadd.f32 v5, v4;
	v5 =	vmul.f32 v23, v22  }
0x8a: {  	[sflag:s29] =	ssyncadd.s32 $0xFFFFFF80  }
0x8b: {  	v32 =	vld [tilespmem:$0x900];
	v4 =	vadd.f32 v5, v4;
	v5 =	vmul.f32 v25, v24  }
0x8c: {  	v33 =	vld [tilespmem:$0x200]  }
0x8d: {  	v34 =	vld [tilespmem:$0x910];
	v4 =	vadd.f32 v5, v4;
	v5 =	vmul.f32 v27, v26  }
0x8e: {  	v35 =	vld [tilespmem:$0x210]  }
0x8f: {  	v36 =	vld [tilespmem:$0x920];
	v4 =	vadd.f32 v5, v4;
	v5 =	vmul.f32 v29, v28  }
0x90: {  	v39 =	vld [tilespmem:$0x230]  }
0x91: {  	v42 =	vld [tilespmem:$0x950];
	v4 =	vadd.f32 v5, v4;
	v5 =	vmul.f32 v31, v30  }
0x92: {  	v37 =	vld [tilespmem:$0x220]  }
0x93: {  	v43 =	vld [tilespmem:$0x250];
	v4 =	vadd.f32 v5, v4;
	v5 =	vmul.f32 v33, v32  }
0x94: {  	v38 =	vld [tilespmem:$0x930]  }
0x95: {  	v40 =	vld [tilespmem:$0x940];
	v4 =	vadd.f32 v5, v4;
	v5 =	vmul.f32 v35, v34  }
0x96: {  	v41 =	vld [tilespmem:$0x240]  }
0x97: {  	v44 =	vld [tilespmem:$0x960];
	v4 =	vadd.f32 v5, v4;
	v5 =	vmul.f32 v37, v36  }
0x98: {  	v45 =	vld [tilespmem:$0x260]  }
0x99: {  	v46 =	vld [tilespmem:$0x970];
	v4 =	vadd.f32 v5, v4;
	v5 =	vmul.f32 v39, v38  }
0x9a: {  	v47 =	vld [tilespmem:$0x270];
	_ =	swait.ge [sflag:s30], $0x80  }
0x9b: {  	[sflag:s30] =	ssyncset.done $0x0;
	v4 =	vadd.f32 v5, v4;
	v5 =	vmul.f32 v41, v40  }
0x9c: {  	[sflag:s30] =	ssyncadd.s32 $0xFFFFFF80  }
0x9d: {  	v48 =	vld [tilespmem:$0x980];
	v4 =	vadd.f32 v5, v4;
	v5 =	vmul.f32 v43, v42  }
0x9e: {  	v49 =	vld [tilespmem:$0x280]  }
0x9f: {  	v50 =	vld [tilespmem:$0x990];
	v4 =	vadd.f32 v5, v4;
	v5 =	vmul.f32 v45, v44  }
0xa0: {  	v51 =	vld [tilespmem:$0x290]  }
0xa1: {  	v52 =	vld [tilespmem:$0x9A0];
	v4 =	vadd.f32 v5, v4;
	v5 =	vmul.f32 v47, v46  }
0xa2: {  	v53 =	vld [tilespmem:$0x2A0]  }
0xa3: {  	v54 =	vld [tilespmem:$0x9B0];
	v4 =	vadd.f32 v5, v4;
	v5 =	vmul.f32 v49, v48  }
0xa4: {  	v55 =	vld [tilespmem:$0x2B0]  }
0xa5: {  	v56 =	vld [tilespmem:$0x9C0];
	v4 =	vadd.f32 v5, v4;
	v5 =	vmul.f32 v51, v50  }
0xa6: {  	v57 =	vld [tilespmem:$0x2C0]  }
0xa7: {  	v58 =	vld [tilespmem:$0x9D0];
	v4 =	vadd.f32 v5, v4;
	v5 =	vmul.f32 v53, v52  }
0xa8: {  	v59 =	vld [tilespmem:$0x2D0]  }
0xa9: {  	v60 =	vld [tilespmem:$0x9E0];
	v4 =	vadd.f32 v5, v4;
	v5 =	vmul.f32 v55, v54  }
0xaa: {  	v61 =	vld [tilespmem:$0x2E0]  }
0xab: {  	v62 =	vld [tilespmem:$0x9F0];
	v4 =	vadd.f32 v5, v4;
	v5 =	vmul.f32 v57, v56  }
0xac: {  	v63 =	vld [tilespmem:$0x2F0]  }
0xad: {  	v4 =	vadd.f32 v5, v4;
	v5 =	vmul.f32 v59, v58;
	_ =	sdelay $0x1  }
0xae: {  	v4 =	vadd.f32 v5, v4;
	v5 =	vmul.f32 v61, v60;
	_ =	sdelay $0x1  }
0xaf: {  	v4 =	vadd.f32 v5, v4;
	v5 =	vmul.f32 v63, v62;
	_ =	sdelay $0x1  }
0xb0: {  	v4 =	vadd.f32 v5, v4;
	_ =	sdelay $0x1  }
0xb1: {  	v5 =	vperm.xlane v4, v0;
	_ =	sdelay $0x1  }
0xb2: {  	v4 =	vadd.f32 v4, v5;
	_ =	sdelay $0x1  }
0xb3: {  	v5 =	vperm.xlane v4, v1;
	_ =	sdelay $0x1  }
0xb4: {  	v4 =	vadd.f32 v4, v5;
	_ =	sdelay $0x1  }
0xb5: {  	v5 =	vperm.xlane v4, v2;
	_ =	sdelay $0x1  }
0xb6: {  	v4 =	vadd.f32 v4, v5;
	_ =	sdelay $0x1  }
0xb7: {  	v5 =	vperm.xlane v4, v3;
	_ =	sdelay $0x1  }
0xb8: {  	v4 =	vadd.f32 v4, v5  }
0xb9: {  	p0 =	sne.s32 s5, $0x1  }
.Ltmp0:
0xba: {  	s16 =	rddreg [dreg:$0xa];
	[tilespmem:$0xB00] =	vst v4;
	(pc) =	sbr.rel @p0 .LBB2_1-.Ltmp0, $4  }
0xbb: {  	[hbm4b:s16+s3] =	stream.linear.scatter [tilespmem:s31], [sflag:$0xE], $0x80, $0x38;
	[tilespmem:$0xB80] =	vst v63  }
0xbc: {  	_ =	swait.ge [sflag:s2], $0x80  }
0xbd: {  	[sflag:s2] =	ssyncset.done $0x0  }
0xbe: {  	s5 =	sadd.s32 $0xFFFFFFFF, s5;
	[sflag:s2] =	ssyncadd.s32 $0xFFFFFF80  }
0xbf: {  	_ =	sfence.sel $0x180000  }
0xc0: {  	[bflag:$0x0] =	sbarrier.arrive $0xFFFF  }
0xc1: {  	_ =	strace $0x90000047  }
0xc2: {  	s0 =	stileid.u32;
	[bflag:$0x2] =	sbarrier.arrive $0xFFFF  }
0xc3: {  	p0 =	sne.s32 s0, $0x0;
	s0 =	rddreg [dreg:$0x3]  }
0xc4: {  	s0 =	sadd.s32 @!p0 $0x100000, s0  }
0xc5: {  	[sflag:s0] =	ssyncadd.tile.s32 @!p0 $0x1;
	_ =	shalt  }
.Lfunc_end2:
_tile_overlayer_lowered:
.L_overlay_start_2:
0xc6: {  	(tag) =	ssettag $0x2  }
0xc7: {  	s0 =	rddreg [dreg:$0x0];
	s2 =	stileid.u32  }
0xc8: {  	s1 =	rddreg [dreg:$0x1];
	p0 =	sne.s32 s2, $0x0  }
0xc9: {  	s3 =	rddreg [dreg:$0x2];
	[bflag:$0x3] =	sbarrier.arrive $0xFFFF;
	s2 =	simm.s32 @!p0 $0x1C0E  }
0xca: {  	[timem:s3], [sflag:s2] =	dma.local @!p0 [hbm:s0], s1  }
0xcb: {  	s0 =	simm.s32 @!p0 $0xE  }
0xcc: {  	_ =	swait.ge @!p0 [sflag:s0], s1  }
0xcd: {  	s1 =	ssub.s32 @!p0 $0x0, s1;
	[sflag:s0] =	ssyncset.done @!p0 $0x0  }
0xce: {  	[sflag:s0] =	ssyncadd.s32 @!p0 s1  }
0xcf: {  	[bflag:$0x3] =	sbarrier.arrive $0xFFFF  }
0xd0: {  	_ =	shalt  }

</sc_bundles>
